<compile_context>
chip_gen: v7x
topology: tpu7x:2x2x1
jax: 0.10.2.dev20260603
libtpu: 0.0.44.dev20260713+nightly
codegen_flags: <defaults>
</compile_context>

<pallas_src>
import jax
import jax.numpy as jnp
from jax import lax
from jax.experimental import pallas as pl
from jax.experimental.pallas import tpu as pltpu
from jax.experimental.pallas import tpu_sc as plsc

P = 3.0
A = 10.0
N_NODES = 100000
N_SEG = 100000
E_EDGES = 3200000

ROWS = 784
NPAD = ROWS * 128
NC = 2
NS = 16
NW = NC * NS
EPW = E_EDGES // NW
CHUNK = 2000
NCH = EPW // CHUNK
ZPT = NPAD // NS


def _tables_body(x_ref, vp_ref, wp_ref, vn_ref, wn_ref):
    x = x_ref[...]
    wp = jnp.exp(P * x)
    xn = 1.0 - x
    wn = jnp.exp(P * xn)
    vp_ref[...] = x * wp
    wp_ref[...] = wp
    vn_ref[...] = xn * wn
    wn_ref[...] = wn


def _make_tables(xp):
    shp = jax.ShapeDtypeStruct((ROWS, 128), jnp.float32)
    return pl.pallas_call(_tables_body, out_shape=(shp, shp, shp, shp))(xp)


def _sc_body(vp, wp, vn, wn, zeros_hbm, adj_pos, adj_neg, out,
             tvp, twp, tvn, twn, acc_num, acc_dom,
             idx_a, seg_a, val_a, wt_a, idx_b, seg_b, val_b, wt_b,
             lsem, gsem_v, gsem_w, ssem):
    cid = lax.axis_index("c")
    sid = lax.axis_index("s")
    wid = cid * NS + sid
    sl = pl.ds(sid * ZPT, ZPT)
    sbase = sid * ZPT
    pltpu.sync_copy(vp.at[sl], tvp.at[sl])
    pltpu.sync_copy(wp.at[sl], twp.at[sl])
    pltpu.sync_copy(vn.at[sl], tvn.at[sl])
    pltpu.sync_copy(wn.at[sl], twn.at[sl])
    pltpu.sync_copy(zeros_hbm.at[sl], acc_num.at[sl])
    pltpu.sync_copy(zeros_hbm.at[sl], acc_dom.at[sl])
    plsc.subcore_barrier()

    buf_a = (idx_a, seg_a, val_a, wt_a)
    buf_b = (idx_b, seg_b, val_b, wt_b)

    def run_edges(adj, vtbl, wtbl):
        base0 = wid * EPW

        def issue_loads(i, bufs):
            idxb, segb, _, _ = bufs
            b = base0 + i * CHUNK
            pltpu.async_copy(adj.at[pl.ds(E_EDGES + b, CHUNK)], idxb, lsem)
            pltpu.async_copy(adj.at[pl.ds(b, CHUNK)], segb, lsem)

        def wait_loads(bufs):
            idxb, segb, _, _ = bufs
            pltpu.make_async_copy(adj.at[pl.ds(0, CHUNK)], idxb, lsem).wait()
            pltpu.make_async_copy(adj.at[pl.ds(0, CHUNK)], segb, lsem).wait()

        def wait_scatters(bufs):
            _, segb, valb, wtb = bufs
            pltpu.make_async_copy(valb, acc_num.at[segb], ssem).wait()
            pltpu.make_async_copy(wtb, acc_dom.at[segb], ssem).wait()

        def gathers(bufs):
            idxb, _, valb, wtb = bufs
            gv = pltpu.async_copy(vtbl.at[idxb], valb, gsem_v)
            gw = pltpu.async_copy(wtbl.at[idxb], wtb, gsem_w)
            return gv, gw

        def scatters(gv, gw, bufs):
            _, segb, valb, wtb = bufs
            gv.wait()
            pltpu.async_copy(valb, acc_num.at[segb], ssem, add=True)
            gw.wait()
            pltpu.async_copy(wtb, acc_dom.at[segb], ssem, add=True)

        issue_loads(0, buf_a)

        def pair(k, carry):
            wait_loads(buf_a)
            gv, gw = gathers(buf_a)

            @pl.when(k >= 1)
            def _():
                wait_scatters(buf_b)

            issue_loads(2 * k + 1, buf_b)
            scatters(gv, gw, buf_a)
            wait_loads(buf_b)
            gv, gw = gathers(buf_b)
            wait_scatters(buf_a)

            @pl.when(k + 1 < NCH // 2)
            def _():
                issue_loads(2 * k + 2, buf_a)

            scatters(gv, gw, buf_b)
            return carry

        lax.fori_loop(0, NCH // 2, pair, 0)
        wait_scatters(buf_b)

    run_edges(adj_pos, tvp, twp)
    run_edges(adj_neg, tvn, twn)
    plsc.subcore_barrier()
    pltpu.sync_copy(acc_num.at[sl], out.at[pl.ds((cid * 2 + 0) * NPAD + sbase, ZPT)])
    pltpu.sync_copy(acc_dom.at[sl], out.at[pl.ds((cid * 2 + 1) * NPAD + sbase, ZPT)])


def _segment_accumulate(vp, wp, vn, wn, zeros, adj_pos, adj_neg):
    mesh = plsc.VectorSubcoreMesh(
        core_axis_name="c", subcore_axis_name="s", num_cores=NC, num_subcores=NS)
    f = pl.kernel(
        _sc_body,
        out_type=jax.ShapeDtypeStruct((NC * 2 * NPAD,), jnp.float32),
        mesh=mesh,
        scratch_types=[
            pltpu.VMEM_SHARED((NPAD,), jnp.float32),
            pltpu.VMEM_SHARED((NPAD,), jnp.float32),
            pltpu.VMEM_SHARED((NPAD,), jnp.float32),
            pltpu.VMEM_SHARED((NPAD,), jnp.float32),
            pltpu.VMEM_SHARED((NPAD,), jnp.float32),
            pltpu.VMEM_SHARED((NPAD,), jnp.float32),
            pltpu.VMEM((CHUNK,), jnp.int32),
            pltpu.VMEM((CHUNK,), jnp.int32),
            pltpu.VMEM((CHUNK,), jnp.float32),
            pltpu.VMEM((CHUNK,), jnp.float32),
            pltpu.VMEM((CHUNK,), jnp.int32),
            pltpu.VMEM((CHUNK,), jnp.int32),
            pltpu.VMEM((CHUNK,), jnp.float32),
            pltpu.VMEM((CHUNK,), jnp.float32),
            pltpu.SemaphoreType.DMA,
            pltpu.SemaphoreType.DMA,
            pltpu.SemaphoreType.DMA,
            pltpu.SemaphoreType.DMA,
        ],
    )
    return f(vp, wp, vn, wn, zeros, adj_pos, adj_neg)


def _loss_body(p_ref, o_ref):
    p = p_ref[...]
    num = p[0, 0] + p[1, 0]
    dom = p[0, 1] + p[1, 1]
    r = num / dom
    sm = 1.0 / (1.0 + jnp.exp(A * (0.5 - r))) + 0.05
    lg = jnp.log(sm)
    row = lax.broadcasted_iota(jnp.int32, (ROWS, 128), 0)
    col = lax.broadcasted_iota(jnp.int32, (ROWS, 128), 1)
    valid = (row * 128 + col) < N_SEG
    o_ref[0, 0] = -jnp.sum(jnp.where(valid, lg, 0.0))


def _finish(parts):
    return pl.pallas_call(
        _loss_body,
        out_shape=jax.ShapeDtypeStruct((1, 1), jnp.float32),
        out_specs=pl.BlockSpec(memory_space=pltpu.SMEM),
    )(parts)


def kernel(xv, adj_pos, adj_neg, is_train):
    xf = xv.reshape(-1).astype(jnp.float32)
    xp = jnp.pad(xf, (0, NPAD - N_NODES)).reshape(ROWS, 128)
    vp, wp, vn, wn = _make_tables(xp)
    zeros = jnp.zeros((NPAD,), jnp.float32)
    parts = _segment_accumulate(
        vp.reshape(NPAD), wp.reshape(NPAD), vn.reshape(NPAD), wn.reshape(NPAD),
        zeros, adj_pos.reshape(-1), adj_neg.reshape(-1))
    loss = _finish(parts.reshape(NC, 2, ROWS, 128))
    return loss[0, 0]

# --- scband reference (transcript-rebuilt; emitter-appended) ---
"""Pipeline reference for scband-simple-loss-compute2-42966852829439 (READ-ONLY COPY).

The authoritative reference and input builder live on the scoring server;
editing this copy changes nothing except your own understanding.
"""

import jax, jax.numpy as jnp
import numpy as np

P = 3.0
A = 10.0
NUM_NODES = 100000
NUM_SEGMENTS = 100000
E = 3200000


def setup_inputs(seed: int = 0) -> dict:
    key = jax.random.key(seed)
    k1, k2, k3 = jax.random.split(key, 3)
    xv = jax.random.uniform(k1, (NUM_NODES, 1), dtype=jnp.float32)
    adj_pos = jax.random.randint(k2, (2, E), 0, NUM_NODES, dtype=jnp.int32)
    adj_neg = jax.random.randint(k3, (2, E), 0, NUM_NODES, dtype=jnp.int32)
    return {"xv": xv, "adj_pos": adj_pos, "adj_neg": adj_neg, "is_train": False}


def reference(xv, adj_pos, adj_neg, is_train):
    xv = xv.reshape(-1)
    xn = 1.0 - xv  # negation
    exp_pos = jnp.exp(P * xv)
    exp_neg = jnp.exp(P * xn)
    # gather per-edge values (SparseCore gather)
    xe = jnp.concatenate([exp_pos[adj_pos[1]], exp_neg[adj_neg[1]]])
    numerator_vals = jnp.concatenate([xv[adj_pos[1]], xn[adj_neg[1]]]) * xe
    idx = jnp.concatenate([adj_pos[0], adj_neg[0]])
    # segment reduce (scatter-add) over clause indices
    numerator = jax.ops.segment_sum(numerator_vals, idx, num_segments=NUM_SEGMENTS)
    dominator = jax.ops.segment_sum(xe, idx, num_segments=NUM_SEGMENTS)
    # push_to_side
    sm = 1.0 / (1.0 + jnp.exp(A * (0.5 - numerator / dominator)))
    sm = sm + 0.05
    log_smooth = jnp.log(sm)
    _loss = -jnp.sum(log_smooth)
    return _loss

if __name__ == "__main__":
    import jax
    _d = setup_inputs()
    print(jax.jit(kernel)(*tuple(_d.values())))

</pallas_src>

<mosaic_0001>
#map = affine_map<(d0, d1) -> (0)>
module attributes {stable_mosaic.version = 14 : i64} {
  func.func @_sc_body(%arg0: i32, %arg1: i32, %arg2: memref<100352xf32, #tpu.memory_space<hbm>>, %arg3: memref<100352xf32, #tpu.memory_space<hbm>>, %arg4: memref<100352xf32, #tpu.memory_space<hbm>>, %arg5: memref<100352xf32, #tpu.memory_space<hbm>>, %arg6: memref<100352xf32, #tpu.memory_space<hbm>>, %arg7: memref<6400000xi32, #tpu.memory_space<hbm>>, %arg8: memref<6400000xi32, #tpu.memory_space<hbm>>, %arg9: memref<401408xf32, #tpu.memory_space<hbm>>, %arg10: memref<100352xf32, #tpu.memory_space<vmem_shared>>, %arg11: memref<100352xf32, #tpu.memory_space<vmem_shared>>, %arg12: memref<100352xf32, #tpu.memory_space<vmem_shared>>, %arg13: memref<100352xf32, #tpu.memory_space<vmem_shared>>, %arg14: memref<100352xf32, #tpu.memory_space<vmem_shared>>, %arg15: memref<100352xf32, #tpu.memory_space<vmem_shared>>, %arg16: memref<2000xi32, #tpu.memory_space<vmem>>, %arg17: memref<2000xi32, #tpu.memory_space<vmem>>, %arg18: memref<2000xf32, #tpu.memory_space<vmem>>, %arg19: memref<2000xf32, #tpu.memory_space<vmem>>, %arg20: memref<2000xi32, #tpu.memory_space<vmem>>, %arg21: memref<2000xi32, #tpu.memory_space<vmem>>, %arg22: memref<2000xf32, #tpu.memory_space<vmem>>, %arg23: memref<2000xf32, #tpu.memory_space<vmem>>, %arg24: memref<!tpu.dma_semaphore, #tpu.memory_space<semaphore_mem>>, %arg25: memref<!tpu.dma_semaphore, #tpu.memory_space<semaphore_mem>>, %arg26: memref<!tpu.dma_semaphore, #tpu.memory_space<semaphore_mem>>, %arg27: memref<!tpu.dma_semaphore, #tpu.memory_space<semaphore_mem>>) attributes {dimension_semantics = [#tpu.dimension_semantics<core_parallel>, #tpu.dimension_semantics<subcore_parallel>], iteration_bounds = array<i64: 2, 16>, scalar_prefetch = 0 : i64, scratch_operands = 18 : i64, tpu.core_type = #tpu.core_type<sc_vector_subcore>, window_params = [{transform_indices = #map}, {transform_indices = #map}, {transform_indices = #map}, {transform_indices = #map}, {transform_indices = #map}, {transform_indices = #map}, {transform_indices = #map}, {transform_indices = #map}]} {
    %mul3A = arith.constant 16 : i32
    %mul3A_0 = arith.muli %arg0, %mul3A : i32
    %add3A = arith.addi %mul3A_0, %arg1 : i32
    %mul3A_1 = arith.constant 6272 : i32
    %mul3A_2 = arith.muli %arg1, %mul3A_1 : i32
    %mul3A_3 = arith.constant 6272 : i32
    %mul3A_4 = arith.muli %arg1, %mul3A_3 : i32
    "tpu.region"() ({
      %run_scoped3A = tpu.sem_alloc : memref<!tpu.dma_semaphore, #tpu.memory_space<semaphore_mem>>
      %dma_start3A_57 = tpu.memref_slice %arg10[%mul3A_2] : memref<100352xf32, #tpu.memory_space<vmem_shared>> -> memref<6272xf32, #tpu.memory_space<vmem_shared>>
      %dma_start3A_58 = tpu.memref_slice %arg2[%mul3A_2] : memref<100352xf32, #tpu.memory_space<hbm>> -> memref<6272xf32, #tpu.memory_space<hbm>>
      tpu.enqueue_dma source(%dma_start3A_58 : memref<6272xf32, #tpu.memory_space<hbm>>) target(%dma_start3A_57 : memref<6272xf32, #tpu.memory_space<vmem_shared>>) target_semaphore(%run_scoped3A : memref<!tpu.dma_semaphore, #tpu.memory_space<semaphore_mem>>)
      %dma_wait3A_59 = tpu.memref_slice %arg10[%mul3A_2] : memref<100352xf32, #tpu.memory_space<vmem_shared>> -> memref<6272xf32, #tpu.memory_space<vmem_shared>>
      %dma_wait3A_60 = tpu.memref_slice %arg2[%mul3A_2] : memref<100352xf32, #tpu.memory_space<hbm>> -> memref<6272xf32, #tpu.memory_space<hbm>>
      tpu.wait_dma2 semaphore(%run_scoped3A : memref<!tpu.dma_semaphore, #tpu.memory_space<semaphore_mem>>) src(%dma_wait3A_60 : memref<6272xf32, #tpu.memory_space<hbm>>) dst(%dma_wait3A_59 : memref<6272xf32, #tpu.memory_space<vmem_shared>>)
      tpu.yield
    }) : () -> ()
    "tpu.region"() ({
      %run_scoped3A = tpu.sem_alloc : memref<!tpu.dma_semaphore, #tpu.memory_space<semaphore_mem>>
      %dma_start3A_57 = tpu.memref_slice %arg11[%mul3A_2] : memref<100352xf32, #tpu.memory_space<vmem_shared>> -> memref<6272xf32, #tpu.memory_space<vmem_shared>>
      %dma_start3A_58 = tpu.memref_slice %arg3[%mul3A_2] : memref<100352xf32, #tpu.memory_space<hbm>> -> memref<6272xf32, #tpu.memory_space<hbm>>
      tpu.enqueue_dma source(%dma_start3A_58 : memref<6272xf32, #tpu.memory_space<hbm>>) target(%dma_start3A_57 : memref<6272xf32, #tpu.memory_space<vmem_shared>>) target_semaphore(%run_scoped3A : memref<!tpu.dma_semaphore, #tpu.memory_space<semaphore_mem>>)
      %dma_wait3A_59 = tpu.memref_slice %arg11[%mul3A_2] : memref<100352xf32, #tpu.memory_space<vmem_shared>> -> memref<6272xf32, #tpu.memory_space<vmem_shared>>
      %dma_wait3A_60 = tpu.memref_slice %arg3[%mul3A_2] : memref<100352xf32, #tpu.memory_space<hbm>> -> memref<6272xf32, #tpu.memory_space<hbm>>
      tpu.wait_dma2 semaphore(%run_scoped3A : memref<!tpu.dma_semaphore, #tpu.memory_space<semaphore_mem>>) src(%dma_wait3A_60 : memref<6272xf32, #tpu.memory_space<hbm>>) dst(%dma_wait3A_59 : memref<6272xf32, #tpu.memory_space<vmem_shared>>)
      tpu.yield
    }) : () -> ()
    "tpu.region"() ({
      %run_scoped3A = tpu.sem_alloc : memref<!tpu.dma_semaphore, #tpu.memory_space<semaphore_mem>>
      %dma_start3A_57 = tpu.memref_slice %arg12[%mul3A_2] : memref<100352xf32, #tpu.memory_space<vmem_shared>> -> memref<6272xf32, #tpu.memory_space<vmem_shared>>
      %dma_start3A_58 = tpu.memref_slice %arg4[%mul3A_2] : memref<100352xf32, #tpu.memory_space<hbm>> -> memref<6272xf32, #tpu.memory_space<hbm>>
      tpu.enqueue_dma source(%dma_start3A_58 : memref<6272xf32, #tpu.memory_space<hbm>>) target(%dma_start3A_57 : memref<6272xf32, #tpu.memory_space<vmem_shared>>) target_semaphore(%run_scoped3A : memref<!tpu.dma_semaphore, #tpu.memory_space<semaphore_mem>>)
      %dma_wait3A_59 = tpu.memref_slice %arg12[%mul3A_2] : memref<100352xf32, #tpu.memory_space<vmem_shared>> -> memref<6272xf32, #tpu.memory_space<vmem_shared>>
      %dma_wait3A_60 = tpu.memref_slice %arg4[%mul3A_2] : memref<100352xf32, #tpu.memory_space<hbm>> -> memref<6272xf32, #tpu.memory_space<hbm>>
      tpu.wait_dma2 semaphore(%run_scoped3A : memref<!tpu.dma_semaphore, #tpu.memory_space<semaphore_mem>>) src(%dma_wait3A_60 : memref<6272xf32, #tpu.memory_space<hbm>>) dst(%dma_wait3A_59 : memref<6272xf32, #tpu.memory_space<vmem_shared>>)
      tpu.yield
    }) : () -> ()
    "tpu.region"() ({
      %run_scoped3A = tpu.sem_alloc : memref<!tpu.dma_semaphore, #tpu.memory_space<semaphore_mem>>
      %dma_start3A_57 = tpu.memref_slice %arg13[%mul3A_2] : memref<100352xf32, #tpu.memory_space<vmem_shared>> -> memref<6272xf32, #tpu.memory_space<vmem_shared>>
      %dma_start3A_58 = tpu.memref_slice %arg5[%mul3A_2] : memref<100352xf32, #tpu.memory_space<hbm>> -> memref<6272xf32, #tpu.memory_space<hbm>>
      tpu.enqueue_dma source(%dma_start3A_58 : memref<6272xf32, #tpu.memory_space<hbm>>) target(%dma_start3A_57 : memref<6272xf32, #tpu.memory_space<vmem_shared>>) target_semaphore(%run_scoped3A : memref<!tpu.dma_semaphore, #tpu.memory_space<semaphore_mem>>)
      %dma_wait3A_59 = tpu.memref_slice %arg13[%mul3A_2] : memref<100352xf32, #tpu.memory_space<vmem_shared>> -> memref<6272xf32, #tpu.memory_space<vmem_shared>>
      %dma_wait3A_60 = tpu.memref_slice %arg5[%mul3A_2] : memref<100352xf32, #tpu.memory_space<hbm>> -> memref<6272xf32, #tpu.memory_space<hbm>>
      tpu.wait_dma2 semaphore(%run_scoped3A : memref<!tpu.dma_semaphore, #tpu.memory_space<semaphore_mem>>) src(%dma_wait3A_60 : memref<6272xf32, #tpu.memory_space<hbm>>) dst(%dma_wait3A_59 : memref<6272xf32, #tpu.memory_space<vmem_shared>>)
      tpu.yield
    }) : () -> ()
    "tpu.region"() ({
      %run_scoped3A = tpu.sem_alloc : memref<!tpu.dma_semaphore, #tpu.memory_space<semaphore_mem>>
      %dma_start3A_57 = tpu.memref_slice %arg14[%mul3A_2] : memref<100352xf32, #tpu.memory_space<vmem_shared>> -> memref<6272xf32, #tpu.memory_space<vmem_shared>>
      %dma_start3A_58 = tpu.memref_slice %arg6[%mul3A_2] : memref<100352xf32, #tpu.memory_space<hbm>> -> memref<6272xf32, #tpu.memory_space<hbm>>
      tpu.enqueue_dma source(%dma_start3A_58 : memref<6272xf32, #tpu.memory_space<hbm>>) target(%dma_start3A_57 : memref<6272xf32, #tpu.memory_space<vmem_shared>>) target_semaphore(%run_scoped3A : memref<!tpu.dma_semaphore, #tpu.memory_space<semaphore_mem>>)
      %dma_wait3A_59 = tpu.memref_slice %arg14[%mul3A_2] : memref<100352xf32, #tpu.memory_space<vmem_shared>> -> memref<6272xf32, #tpu.memory_space<vmem_shared>>
      %dma_wait3A_60 = tpu.memref_slice %arg6[%mul3A_2] : memref<100352xf32, #tpu.memory_space<hbm>> -> memref<6272xf32, #tpu.memory_space<hbm>>
      tpu.wait_dma2 semaphore(%run_scoped3A : memref<!tpu.dma_semaphore, #tpu.memory_space<semaphore_mem>>) src(%dma_wait3A_60 : memref<6272xf32, #tpu.memory_space<hbm>>) dst(%dma_wait3A_59 : memref<6272xf32, #tpu.memory_space<vmem_shared>>)
      tpu.yield
    }) : () -> ()
    "tpu.region"() ({
      %run_scoped3A = tpu.sem_alloc : memref<!tpu.dma_semaphore, #tpu.memory_space<semaphore_mem>>
      %dma_start3A_57 = tpu.memref_slice %arg15[%mul3A_2] : memref<100352xf32, #tpu.memory_space<vmem_shared>> -> memref<6272xf32, #tpu.memory_space<vmem_shared>>
      %dma_start3A_58 = tpu.memref_slice %arg6[%mul3A_2] : memref<100352xf32, #tpu.memory_space<hbm>> -> memref<6272xf32, #tpu.memory_space<hbm>>
      tpu.enqueue_dma source(%dma_start3A_58 : memref<6272xf32, #tpu.memory_space<hbm>>) target(%dma_start3A_57 : memref<6272xf32, #tpu.memory_space<vmem_shared>>) target_semaphore(%run_scoped3A : memref<!tpu.dma_semaphore, #tpu.memory_space<semaphore_mem>>)
      %dma_wait3A_59 = tpu.memref_slice %arg15[%mul3A_2] : memref<100352xf32, #tpu.memory_space<vmem_shared>> -> memref<6272xf32, #tpu.memory_space<vmem_shared>>
      %dma_wait3A_60 = tpu.memref_slice %arg6[%mul3A_2] : memref<100352xf32, #tpu.memory_space<hbm>> -> memref<6272xf32, #tpu.memory_space<hbm>>
      tpu.wait_dma2 semaphore(%run_scoped3A : memref<!tpu.dma_semaphore, #tpu.memory_space<semaphore_mem>>) src(%dma_wait3A_60 : memref<6272xf32, #tpu.memory_space<hbm>>) dst(%dma_wait3A_59 : memref<6272xf32, #tpu.memory_space<vmem_shared>>)
      tpu.yield
    }) : () -> ()
    %barrier3A = arith.constant 0 : index
    tpu.barrier barrier_id(%barrier3A)
    %mul3A_5 = arith.constant 100000 : i32
    %mul3A_6 = arith.muli %add3A, %mul3A_5 : i32
    %add3A_7 = arith.constant 0 : i32
    %add3A_8 = arith.addi %mul3A_6, %add3A_7 : i32
    %add3A_9 = arith.constant 3200000 : i32
    %add3A_10 = arith.addi %add3A_9, %add3A_8 : i32
    %dma_start3A = tpu.memref_slice %arg7[%add3A_10] : memref<6400000xi32, #tpu.memory_space<hbm>> -> memref<2000xi32, #tpu.memory_space<hbm>>
    %dma_start3A_11 = tpu.memref_slice %arg7[%add3A_10] : memref<6400000xi32, #tpu.memory_space<hbm>> -> memref<2000xi32, #tpu.memory_space<hbm>>
    tpu.enqueue_dma source(%dma_start3A_11 : memref<2000xi32, #tpu.memory_space<hbm>>) target(%arg16 : memref<2000xi32, #tpu.memory_space<vmem>>) target_semaphore(%arg24 : memref<!tpu.dma_semaphore, #tpu.memory_space<semaphore_mem>>)
    %dma_start3A_12 = tpu.memref_slice %arg7[%add3A_8] : memref<6400000xi32, #tpu.memory_space<hbm>> -> memref<2000xi32, #tpu.memory_space<hbm>>
    %dma_start3A_13 = tpu.memref_slice %arg7[%add3A_8] : memref<6400000xi32, #tpu.memory_space<hbm>> -> memref<2000xi32, #tpu.memory_space<hbm>>
    tpu.enqueue_dma source(%dma_start3A_13 : memref<2000xi32, #tpu.memory_space<hbm>>) target(%arg17 : memref<2000xi32, #tpu.memory_space<vmem>>) target_semaphore(%arg24 : memref<!tpu.dma_semaphore, #tpu.memory_space<semaphore_mem>>)
    %scan3A = arith.constant 0 : i32
    %scan3A_14 = arith.constant 0 : i32
    %scan3A_15 = arith.constant 25 : i32
    %scan3A_16 = arith.addi %scan3A_14, %scan3A_15 : i32
    %scan3A_17 = arith.constant 1 : i32
    scf.for %scan3A_57 = %scan3A_14 to %scan3A_16 step %scan3A_17  : i32 {
      %dma_wait3A_58 = arith.constant 0 : i32
      %dma_wait3A_59 = tpu.memref_slice %arg7[%dma_wait3A_58] : memref<6400000xi32, #tpu.memory_space<hbm>> -> memref<2000xi32, #tpu.memory_space<hbm>>
      %dma_wait3A_60 = arith.constant 0 : i32
      %dma_wait3A_61 = tpu.memref_slice %arg7[%dma_wait3A_60] : memref<6400000xi32, #tpu.memory_space<hbm>> -> memref<2000xi32, #tpu.memory_space<hbm>>
      tpu.wait_dma2 semaphore(%arg24 : memref<!tpu.dma_semaphore, #tpu.memory_space<semaphore_mem>>) src(%dma_wait3A_61 : memref<2000xi32, #tpu.memory_space<hbm>>) dst(%arg16 : memref<2000xi32, #tpu.memory_space<vmem>>)
      %dma_wait3A_62 = arith.constant 0 : i32
      %dma_wait3A_63 = tpu.memref_slice %arg7[%dma_wait3A_62] : memref<6400000xi32, #tpu.memory_space<hbm>> -> memref<2000xi32, #tpu.memory_space<hbm>>
      %dma_wait3A_64 = arith.constant 0 : i32
      %dma_wait3A_65 = tpu.memref_slice %arg7[%dma_wait3A_64] : memref<6400000xi32, #tpu.memory_space<hbm>> -> memref<2000xi32, #tpu.memory_space<hbm>>
      tpu.wait_dma2 semaphore(%arg24 : memref<!tpu.dma_semaphore, #tpu.memory_space<semaphore_mem>>) src(%dma_wait3A_65 : memref<2000xi32, #tpu.memory_space<hbm>>) dst(%arg17 : memref<2000xi32, #tpu.memory_space<vmem>>)
      %dma_start3A_66 = arith.constant 0 : i32
      %dma_start3A_67 = tpu.memref_slice %arg10[%dma_start3A_66] : memref<100352xf32, #tpu.memory_space<vmem_shared>> -> memref<100352xf32, #tpu.memory_space<vmem_shared>>
      tpu.enqueue_indirect_dma source(%dma_start3A_67 : memref<100352xf32, #tpu.memory_space<vmem_shared>>) target(%arg18 : memref<2000xf32, #tpu.memory_space<vmem>>) offsets(%arg16 : memref<2000xi32, #tpu.memory_space<vmem>>) semaphore(%arg25 : memref<!tpu.dma_semaphore, #tpu.memory_space<semaphore_mem>>)
      %dma_start3A_68 = arith.constant 0 : i32
      %dma_start3A_69 = tpu.memref_slice %arg11[%dma_start3A_68] : memref<100352xf32, #tpu.memory_space<vmem_shared>> -> memref<100352xf32, #tpu.memory_space<vmem_shared>>
      tpu.enqueue_indirect_dma source(%dma_start3A_69 : memref<100352xf32, #tpu.memory_space<vmem_shared>>) target(%arg19 : memref<2000xf32, #tpu.memory_space<vmem>>) offsets(%arg16 : memref<2000xi32, #tpu.memory_space<vmem>>) semaphore(%arg26 : memref<!tpu.dma_semaphore, #tpu.memory_space<semaphore_mem>>)
      %ge3A = arith.constant 1 : i32
      %ge3A_70 = arith.cmpi sge, %scan3A_57, %ge3A : i32
      %convert_element_type3A = arith.extui %ge3A_70 : i1 to i32
      %cond3A = arith.constant 0 : i32
      %cond3A_71 = arith.cmpi ne, %convert_element_type3A, %cond3A : i32
      scf.if %cond3A_71 {
        %dma_wait3A_123 = arith.constant 0 : i32
        %dma_wait3A_124 = tpu.memref_slice %arg14[%dma_wait3A_123] : memref<100352xf32, #tpu.memory_space<vmem_shared>> -> memref<100352xf32, #tpu.memory_space<vmem_shared>>
        tpu.wait_indirect_dma semaphore(%arg27 : memref<!tpu.dma_semaphore, #tpu.memory_space<semaphore_mem>>) src(%arg22 : memref<2000xf32, #tpu.memory_space<vmem>>) dst(%dma_wait3A_124 : memref<100352xf32, #tpu.memory_space<vmem_shared>>)
        %dma_wait3A_125 = arith.constant 0 : i32
        %dma_wait3A_126 = tpu.memref_slice %arg15[%dma_wait3A_125] : memref<100352xf32, #tpu.memory_space<vmem_shared>> -> memref<100352xf32, #tpu.memory_space<vmem_shared>>
        tpu.wait_indirect_dma semaphore(%arg27 : memref<!tpu.dma_semaphore, #tpu.memory_space<semaphore_mem>>) src(%arg23 : memref<2000xf32, #tpu.memory_space<vmem>>) dst(%dma_wait3A_126 : memref<100352xf32, #tpu.memory_space<vmem_shared>>)
      } else {
      }
      %mul3A_72 = arith.constant 2 : i32
      %mul3A_73 = arith.muli %mul3A_72, %scan3A_57 : i32
      %add3A_74 = arith.constant 1 : i32
      %add3A_75 = arith.addi %mul3A_73, %add3A_74 : i32
      %mul3A_76 = arith.constant 2000 : i32
      %mul3A_77 = arith.muli %add3A_75, %mul3A_76 : i32
      %add3A_78 = arith.addi %mul3A_6, %mul3A_77 : i32
      %add3A_79 = arith.constant 3200000 : i32
      %add3A_80 = arith.addi %add3A_79, %add3A_78 : i32
      %dma_start3A_81 = tpu.memref_slice %arg7[%add3A_80] : memref<6400000xi32, #tpu.memory_space<hbm>> -> memref<2000xi32, #tpu.memory_space<hbm>>
      %dma_start3A_82 = tpu.memref_slice %arg7[%add3A_80] : memref<6400000xi32, #tpu.memory_space<hbm>> -> memref<2000xi32, #tpu.memory_space<hbm>>
      tpu.enqueue_dma source(%dma_start3A_82 : memref<2000xi32, #tpu.memory_space<hbm>>) target(%arg20 : memref<2000xi32, #tpu.memory_space<vmem>>) target_semaphore(%arg24 : memref<!tpu.dma_semaphore, #tpu.memory_space<semaphore_mem>>)
      %dma_start3A_83 = tpu.memref_slice %arg7[%add3A_78] : memref<6400000xi32, #tpu.memory_space<hbm>> -> memref<2000xi32, #tpu.memory_space<hbm>>
      %dma_start3A_84 = tpu.memref_slice %arg7[%add3A_78] : memref<6400000xi32, #tpu.memory_space<hbm>> -> memref<2000xi32, #tpu.memory_space<hbm>>
      tpu.enqueue_dma source(%dma_start3A_84 : memref<2000xi32, #tpu.memory_space<hbm>>) target(%arg21 : memref<2000xi32, #tpu.memory_space<vmem>>) target_semaphore(%arg24 : memref<!tpu.dma_semaphore, #tpu.memory_space<semaphore_mem>>)
      %dma_wait3A_85 = arith.constant 0 : i32
      %dma_wait3A_86 = tpu.memref_slice %arg10[%dma_wait3A_85] : memref<100352xf32, #tpu.memory_space<vmem_shared>> -> memref<100352xf32, #tpu.memory_space<vmem_shared>>
      tpu.wait_indirect_dma semaphore(%arg25 : memref<!tpu.dma_semaphore, #tpu.memory_space<semaphore_mem>>) src(%dma_wait3A_86 : memref<100352xf32, #tpu.memory_space<vmem_shared>>) dst(%arg18 : memref<2000xf32, #tpu.memory_space<vmem>>)
      %dma_start3A_87 = arith.constant 0 : i32
      %dma_start3A_88 = tpu.memref_slice %arg14[%dma_start3A_87] : memref<100352xf32, #tpu.memory_space<vmem_shared>> -> memref<100352xf32, #tpu.memory_space<vmem_shared>>
      tpu.enqueue_indirect_dma source(%arg18 : memref<2000xf32, #tpu.memory_space<vmem>>) target(%dma_start3A_88 : memref<100352xf32, #tpu.memory_space<vmem_shared>>) offsets(%arg17 : memref<2000xi32, #tpu.memory_space<vmem>>) semaphore(%arg27 : memref<!tpu.dma_semaphore, #tpu.memory_space<semaphore_mem>>) {add = true}
      %dma_wait3A_89 = arith.constant 0 : i32
      %dma_wait3A_90 = tpu.memref_slice %arg11[%dma_wait3A_89] : memref<100352xf32, #tpu.memory_space<vmem_shared>> -> memref<100352xf32, #tpu.memory_space<vmem_shared>>
      tpu.wait_indirect_dma semaphore(%arg26 : memref<!tpu.dma_semaphore, #tpu.memory_space<semaphore_mem>>) src(%dma_wait3A_90 : memref<100352xf32, #tpu.memory_space<vmem_shared>>) dst(%arg19 : memref<2000xf32, #tpu.memory_space<vmem>>)
      %dma_start3A_91 = arith.constant 0 : i32
      %dma_start3A_92 = tpu.memref_slice %arg15[%dma_start3A_91] : memref<100352xf32, #tpu.memory_space<vmem_shared>> -> memref<100352xf32, #tpu.memory_space<vmem_shared>>
      tpu.enqueue_indirect_dma source(%arg19 : memref<2000xf32, #tpu.memory_space<vmem>>) target(%dma_start3A_92 : memref<100352xf32, #tpu.memory_space<vmem_shared>>) offsets(%arg17 : memref<2000xi32, #tpu.memory_space<vmem>>) semaphore(%arg27 : memref<!tpu.dma_semaphore, #tpu.memory_space<semaphore_mem>>) {add = true}
      %dma_wait3A_93 = arith.constant 0 : i32
      %dma_wait3A_94 = tpu.memref_slice %arg7[%dma_wait3A_93] : memref<6400000xi32, #tpu.memory_space<hbm>> -> memref<2000xi32, #tpu.memory_space<hbm>>
      %dma_wait3A_95 = arith.constant 0 : i32
      %dma_wait3A_96 = tpu.memref_slice %arg7[%dma_wait3A_95] : memref<6400000xi32, #tpu.memory_space<hbm>> -> memref<2000xi32, #tpu.memory_space<hbm>>
      tpu.wait_dma2 semaphore(%arg24 : memref<!tpu.dma_semaphore, #tpu.memory_space<semaphore_mem>>) src(%dma_wait3A_96 : memref<2000xi32, #tpu.memory_space<hbm>>) dst(%arg20 : memref<2000xi32, #tpu.memory_space<vmem>>)
      %dma_wait3A_97 = arith.constant 0 : i32
      %dma_wait3A_98 = tpu.memref_slice %arg7[%dma_wait3A_97] : memref<6400000xi32, #tpu.memory_space<hbm>> -> memref<2000xi32, #tpu.memory_space<hbm>>
      %dma_wait3A_99 = arith.constant 0 : i32
      %dma_wait3A_100 = tpu.memref_slice %arg7[%dma_wait3A_99] : memref<6400000xi32, #tpu.memory_space<hbm>> -> memref<2000xi32, #tpu.memory_space<hbm>>
      tpu.wait_dma2 semaphore(%arg24 : memref<!tpu.dma_semaphore, #tpu.memory_space<semaphore_mem>>) src(%dma_wait3A_100 : memref<2000xi32, #tpu.memory_space<hbm>>) dst(%arg21 : memref<2000xi32, #tpu.memory_space<vmem>>)
      %dma_start3A_101 = arith.constant 0 : i32
      %dma_start3A_102 = tpu.memref_slice %arg10[%dma_start3A_101] : memref<100352xf32, #tpu.memory_space<vmem_shared>> -> memref<100352xf32, #tpu.memory_space<vmem_shared>>
      tpu.enqueue_indirect_dma source(%dma_start3A_102 : memref<100352xf32, #tpu.memory_space<vmem_shared>>) target(%arg22 : memref<2000xf32, #tpu.memory_space<vmem>>) offsets(%arg20 : memref<2000xi32, #tpu.memory_space<vmem>>) semaphore(%arg25 : memref<!tpu.dma_semaphore, #tpu.memory_space<semaphore_mem>>)
      %dma_start3A_103 = arith.constant 0 : i32
      %dma_start3A_104 = tpu.memref_slice %arg11[%dma_start3A_103] : memref<100352xf32, #tpu.memory_space<vmem_shared>> -> memref<100352xf32, #tpu.memory_space<vmem_shared>>
      tpu.enqueue_indirect_dma source(%dma_start3A_104 : memref<100352xf32, #tpu.memory_space<vmem_shared>>) target(%arg23 : memref<2000xf32, #tpu.memory_space<vmem>>) offsets(%arg20 : memref<2000xi32, #tpu.memory_space<vmem>>) semaphore(%arg26 : memref<!tpu.dma_semaphore, #tpu.memory_space<semaphore_mem>>)
      %dma_wait3A_105 = arith.constant 0 : i32
      %dma_wait3A_106 = tpu.memref_slice %arg14[%dma_wait3A_105] : memref<100352xf32, #tpu.memory_space<vmem_shared>> -> memref<100352xf32, #tpu.memory_space<vmem_shared>>
      tpu.wait_indirect_dma semaphore(%arg27 : memref<!tpu.dma_semaphore, #tpu.memory_space<semaphore_mem>>) src(%arg18 : memref<2000xf32, #tpu.memory_space<vmem>>) dst(%dma_wait3A_106 : memref<100352xf32, #tpu.memory_space<vmem_shared>>)
      %dma_wait3A_107 = arith.constant 0 : i32
      %dma_wait3A_108 = tpu.memref_slice %arg15[%dma_wait3A_107] : memref<100352xf32, #tpu.memory_space<vmem_shared>> -> memref<100352xf32, #tpu.memory_space<vmem_shared>>
      tpu.wait_indirect_dma semaphore(%arg27 : memref<!tpu.dma_semaphore, #tpu.memory_space<semaphore_mem>>) src(%arg19 : memref<2000xf32, #tpu.memory_space<vmem>>) dst(%dma_wait3A_108 : memref<100352xf32, #tpu.memory_space<vmem_shared>>)
      %add3A_109 = arith.constant 1 : i32
      %add3A_110 = arith.addi %scan3A_57, %add3A_109 : i32
      %lt3A = arith.constant 25 : i32
      %lt3A_111 = arith.cmpi slt, %add3A_110, %lt3A : i32
      %convert_element_type3A_112 = arith.extui %lt3A_111 : i1 to i32
      %cond3A_113 = arith.constant 0 : i32
      %cond3A_114 = arith.cmpi ne, %convert_element_type3A_112, %cond3A_113 : i32
      scf.if %cond3A_114 {
        %mul3A_123 = arith.constant 2 : i32
        %mul3A_124 = arith.muli %mul3A_123, %scan3A_57 : i32
        %add3A_125 = arith.constant 2 : i32
        %add3A_126 = arith.addi %mul3A_124, %add3A_125 : i32
        %mul3A_127 = arith.constant 2000 : i32
        %mul3A_128 = arith.muli %add3A_126, %mul3A_127 : i32
        %add3A_129 = arith.addi %mul3A_6, %mul3A_128 : i32
        %add3A_130 = arith.constant 3200000 : i32
        %add3A_131 = arith.addi %add3A_130, %add3A_129 : i32
        %dma_start3A_132 = tpu.memref_slice %arg7[%add3A_131] : memref<6400000xi32, #tpu.memory_space<hbm>> -> memref<2000xi32, #tpu.memory_space<hbm>>
        %dma_start3A_133 = tpu.memref_slice %arg7[%add3A_131] : memref<6400000xi32, #tpu.memory_space<hbm>> -> memref<2000xi32, #tpu.memory_space<hbm>>
        tpu.enqueue_dma source(%dma_start3A_133 : memref<2000xi32, #tpu.memory_space<hbm>>) target(%arg16 : memref<2000xi32, #tpu.memory_space<vmem>>) target_semaphore(%arg24 : memref<!tpu.dma_semaphore, #tpu.memory_space<semaphore_mem>>)
        %dma_start3A_134 = tpu.memref_slice %arg7[%add3A_129] : memref<6400000xi32, #tpu.memory_space<hbm>> -> memref<2000xi32, #tpu.memory_space<hbm>>
        %dma_start3A_135 = tpu.memref_slice %arg7[%add3A_129] : memref<6400000xi32, #tpu.memory_space<hbm>> -> memref<2000xi32, #tpu.memory_space<hbm>>
        tpu.enqueue_dma source(%dma_start3A_135 : memref<2000xi32, #tpu.memory_space<hbm>>) target(%arg17 : memref<2000xi32, #tpu.memory_space<vmem>>) target_semaphore(%arg24 : memref<!tpu.dma_semaphore, #tpu.memory_space<semaphore_mem>>)
      } else {
      }
      %dma_wait3A_115 = arith.constant 0 : i32
      %dma_wait3A_116 = tpu.memref_slice %arg10[%dma_wait3A_115] : memref<100352xf32, #tpu.memory_space<vmem_shared>> -> memref<100352xf32, #tpu.memory_space<vmem_shared>>
      tpu.wait_indirect_dma semaphore(%arg25 : memref<!tpu.dma_semaphore, #tpu.memory_space<semaphore_mem>>) src(%dma_wait3A_116 : memref<100352xf32, #tpu.memory_space<vmem_shared>>) dst(%arg22 : memref<2000xf32, #tpu.memory_space<vmem>>)
      %dma_start3A_117 = arith.constant 0 : i32
      %dma_start3A_118 = tpu.memref_slice %arg14[%dma_start3A_117] : memref<100352xf32, #tpu.memory_space<vmem_shared>> -> memref<100352xf32, #tpu.memory_space<vmem_shared>>
      tpu.enqueue_indirect_dma source(%arg22 : memref<2000xf32, #tpu.memory_space<vmem>>) target(%dma_start3A_118 : memref<100352xf32, #tpu.memory_space<vmem_shared>>) offsets(%arg21 : memref<2000xi32, #tpu.memory_space<vmem>>) semaphore(%arg27 : memref<!tpu.dma_semaphore, #tpu.memory_space<semaphore_mem>>) {add = true}
      %dma_wait3A_119 = arith.constant 0 : i32
      %dma_wait3A_120 = tpu.memref_slice %arg11[%dma_wait3A_119] : memref<100352xf32, #tpu.memory_space<vmem_shared>> -> memref<100352xf32, #tpu.memory_space<vmem_shared>>
      tpu.wait_indirect_dma semaphore(%arg26 : memref<!tpu.dma_semaphore, #tpu.memory_space<semaphore_mem>>) src(%dma_wait3A_120 : memref<100352xf32, #tpu.memory_space<vmem_shared>>) dst(%arg23 : memref<2000xf32, #tpu.memory_space<vmem>>)
      %dma_start3A_121 = arith.constant 0 : i32
      %dma_start3A_122 = tpu.memref_slice %arg15[%dma_start3A_121] : memref<100352xf32, #tpu.memory_space<vmem_shared>> -> memref<100352xf32, #tpu.memory_space<vmem_shared>>
      tpu.enqueue_indirect_dma source(%arg23 : memref<2000xf32, #tpu.memory_space<vmem>>) target(%dma_start3A_122 : memref<100352xf32, #tpu.memory_space<vmem_shared>>) offsets(%arg21 : memref<2000xi32, #tpu.memory_space<vmem>>) semaphore(%arg27 : memref<!tpu.dma_semaphore, #tpu.memory_space<semaphore_mem>>) {add = true}
    }
    %scan3A_18 = arith.constant 25 : i32
    %dma_wait3A = arith.constant 0 : i32
    %dma_wait3A_19 = tpu.memref_slice %arg14[%dma_wait3A] : memref<100352xf32, #tpu.memory_space<vmem_shared>> -> memref<100352xf32, #tpu.memory_space<vmem_shared>>
    tpu.wait_indirect_dma semaphore(%arg27 : memref<!tpu.dma_semaphore, #tpu.memory_space<semaphore_mem>>) src(%arg22 : memref<2000xf32, #tpu.memory_space<vmem>>) dst(%dma_wait3A_19 : memref<100352xf32, #tpu.memory_space<vmem_shared>>)
    %dma_wait3A_20 = arith.constant 0 : i32
    %dma_wait3A_21 = tpu.memref_slice %arg15[%dma_wait3A_20] : memref<100352xf32, #tpu.memory_space<vmem_shared>> -> memref<100352xf32, #tpu.memory_space<vmem_shared>>
    tpu.wait_indirect_dma semaphore(%arg27 : memref<!tpu.dma_semaphore, #tpu.memory_space<semaphore_mem>>) src(%arg23 : memref<2000xf32, #tpu.memory_space<vmem>>) dst(%dma_wait3A_21 : memref<100352xf32, #tpu.memory_space<vmem_shared>>)
    %mul3A_22 = arith.constant 100000 : i32
    %mul3A_23 = arith.muli %add3A, %mul3A_22 : i32
    %add3A_24 = arith.constant 0 : i32
    %add3A_25 = arith.addi %mul3A_23, %add3A_24 : i32
    %add3A_26 = arith.constant 3200000 : i32
    %add3A_27 = arith.addi %add3A_26, %add3A_25 : i32
    %dma_start3A_28 = tpu.memref_slice %arg8[%add3A_27] : memref<6400000xi32, #tpu.memory_space<hbm>> -> memref<2000xi32, #tpu.memory_space<hbm>>
    %dma_start3A_29 = tpu.memref_slice %arg8[%add3A_27] : memref<6400000xi32, #tpu.memory_space<hbm>> -> memref<2000xi32, #tpu.memory_space<hbm>>
    tpu.enqueue_dma source(%dma_start3A_29 : memref<2000xi32, #tpu.memory_space<hbm>>) target(%arg16 : memref<2000xi32, #tpu.memory_space<vmem>>) target_semaphore(%arg24 : memref<!tpu.dma_semaphore, #tpu.memory_space<semaphore_mem>>)
    %dma_start3A_30 = tpu.memref_slice %arg8[%add3A_25] : memref<6400000xi32, #tpu.memory_space<hbm>> -> memref<2000xi32, #tpu.memory_space<hbm>>
    %dma_start3A_31 = tpu.memref_slice %arg8[%add3A_25] : memref<6400000xi32, #tpu.memory_space<hbm>> -> memref<2000xi32, #tpu.memory_space<hbm>>
    tpu.enqueue_dma source(%dma_start3A_31 : memref<2000xi32, #tpu.memory_space<hbm>>) target(%arg17 : memref<2000xi32, #tpu.memory_space<vmem>>) target_semaphore(%arg24 : memref<!tpu.dma_semaphore, #tpu.memory_space<semaphore_mem>>)
    %scan3A_32 = arith.constant 0 : i32
    %scan3A_33 = arith.constant 0 : i32
    %scan3A_34 = arith.constant 25 : i32
    %scan3A_35 = arith.addi %scan3A_33, %scan3A_34 : i32
    %scan3A_36 = arith.constant 1 : i32
    scf.for %scan3A_57 = %scan3A_33 to %scan3A_35 step %scan3A_36  : i32 {
      %dma_wait3A_58 = arith.constant 0 : i32
      %dma_wait3A_59 = tpu.memref_slice %arg8[%dma_wait3A_58] : memref<6400000xi32, #tpu.memory_space<hbm>> -> memref<2000xi32, #tpu.memory_space<hbm>>
      %dma_wait3A_60 = arith.constant 0 : i32
      %dma_wait3A_61 = tpu.memref_slice %arg8[%dma_wait3A_60] : memref<6400000xi32, #tpu.memory_space<hbm>> -> memref<2000xi32, #tpu.memory_space<hbm>>
      tpu.wait_dma2 semaphore(%arg24 : memref<!tpu.dma_semaphore, #tpu.memory_space<semaphore_mem>>) src(%dma_wait3A_61 : memref<2000xi32, #tpu.memory_space<hbm>>) dst(%arg16 : memref<2000xi32, #tpu.memory_space<vmem>>)
      %dma_wait3A_62 = arith.constant 0 : i32
      %dma_wait3A_63 = tpu.memref_slice %arg8[%dma_wait3A_62] : memref<6400000xi32, #tpu.memory_space<hbm>> -> memref<2000xi32, #tpu.memory_space<hbm>>
      %dma_wait3A_64 = arith.constant 0 : i32
      %dma_wait3A_65 = tpu.memref_slice %arg8[%dma_wait3A_64] : memref<6400000xi32, #tpu.memory_space<hbm>> -> memref<2000xi32, #tpu.memory_space<hbm>>
      tpu.wait_dma2 semaphore(%arg24 : memref<!tpu.dma_semaphore, #tpu.memory_space<semaphore_mem>>) src(%dma_wait3A_65 : memref<2000xi32, #tpu.memory_space<hbm>>) dst(%arg17 : memref<2000xi32, #tpu.memory_space<vmem>>)
      %dma_start3A_66 = arith.constant 0 : i32
      %dma_start3A_67 = tpu.memref_slice %arg12[%dma_start3A_66] : memref<100352xf32, #tpu.memory_space<vmem_shared>> -> memref<100352xf32, #tpu.memory_space<vmem_shared>>
      tpu.enqueue_indirect_dma source(%dma_start3A_67 : memref<100352xf32, #tpu.memory_space<vmem_shared>>) target(%arg18 : memref<2000xf32, #tpu.memory_space<vmem>>) offsets(%arg16 : memref<2000xi32, #tpu.memory_space<vmem>>) semaphore(%arg25 : memref<!tpu.dma_semaphore, #tpu.memory_space<semaphore_mem>>)
      %dma_start3A_68 = arith.constant 0 : i32
      %dma_start3A_69 = tpu.memref_slice %arg13[%dma_start3A_68] : memref<100352xf32, #tpu.memory_space<vmem_shared>> -> memref<100352xf32, #tpu.memory_space<vmem_shared>>
      tpu.enqueue_indirect_dma source(%dma_start3A_69 : memref<100352xf32, #tpu.memory_space<vmem_shared>>) target(%arg19 : memref<2000xf32, #tpu.memory_space<vmem>>) offsets(%arg16 : memref<2000xi32, #tpu.memory_space<vmem>>) semaphore(%arg26 : memref<!tpu.dma_semaphore, #tpu.memory_space<semaphore_mem>>)
      %ge3A = arith.constant 1 : i32
      %ge3A_70 = arith.cmpi sge, %scan3A_57, %ge3A : i32
      %convert_element_type3A = arith.extui %ge3A_70 : i1 to i32
      %cond3A = arith.constant 0 : i32
      %cond3A_71 = arith.cmpi ne, %convert_element_type3A, %cond3A : i32
      scf.if %cond3A_71 {
        %dma_wait3A_123 = arith.constant 0 : i32
        %dma_wait3A_124 = tpu.memref_slice %arg14[%dma_wait3A_123] : memref<100352xf32, #tpu.memory_space<vmem_shared>> -> memref<100352xf32, #tpu.memory_space<vmem_shared>>
        tpu.wait_indirect_dma semaphore(%arg27 : memref<!tpu.dma_semaphore, #tpu.memory_space<semaphore_mem>>) src(%arg22 : memref<2000xf32, #tpu.memory_space<vmem>>) dst(%dma_wait3A_124 : memref<100352xf32, #tpu.memory_space<vmem_shared>>)
        %dma_wait3A_125 = arith.constant 0 : i32
        %dma_wait3A_126 = tpu.memref_slice %arg15[%dma_wait3A_125] : memref<100352xf32, #tpu.memory_space<vmem_shared>> -> memref<100352xf32, #tpu.memory_space<vmem_shared>>
        tpu.wait_indirect_dma semaphore(%arg27 : memref<!tpu.dma_semaphore, #tpu.memory_space<semaphore_mem>>) src(%arg23 : memref<2000xf32, #tpu.memory_space<vmem>>) dst(%dma_wait3A_126 : memref<100352xf32, #tpu.memory_space<vmem_shared>>)
      } else {
      }
      %mul3A_72 = arith.constant 2 : i32
      %mul3A_73 = arith.muli %mul3A_72, %scan3A_57 : i32
      %add3A_74 = arith.constant 1 : i32
      %add3A_75 = arith.addi %mul3A_73, %add3A_74 : i32
      %mul3A_76 = arith.constant 2000 : i32
      %mul3A_77 = arith.muli %add3A_75, %mul3A_76 : i32
      %add3A_78 = arith.addi %mul3A_23, %mul3A_77 : i32
      %add3A_79 = arith.constant 3200000 : i32
      %add3A_80 = arith.addi %add3A_79, %add3A_78 : i32
      %dma_start3A_81 = tpu.memref_slice %arg8[%add3A_80] : memref<6400000xi32, #tpu.memory_space<hbm>> -> memref<2000xi32, #tpu.memory_space<hbm>>
      %dma_start3A_82 = tpu.memref_slice %arg8[%add3A_80] : memref<6400000xi32, #tpu.memory_space<hbm>> -> memref<2000xi32, #tpu.memory_space<hbm>>
      tpu.enqueue_dma source(%dma_start3A_82 : memref<2000xi32, #tpu.memory_space<hbm>>) target(%arg20 : memref<2000xi32, #tpu.memory_space<vmem>>) target_semaphore(%arg24 : memref<!tpu.dma_semaphore, #tpu.memory_space<semaphore_mem>>)
      %dma_start3A_83 = tpu.memref_slice %arg8[%add3A_78] : memref<6400000xi32, #tpu.memory_space<hbm>> -> memref<2000xi32, #tpu.memory_space<hbm>>
      %dma_start3A_84 = tpu.memref_slice %arg8[%add3A_78] : memref<6400000xi32, #tpu.memory_space<hbm>> -> memref<2000xi32, #tpu.memory_space<hbm>>
      tpu.enqueue_dma source(%dma_start3A_84 : memref<2000xi32, #tpu.memory_space<hbm>>) target(%arg21 : memref<2000xi32, #tpu.memory_space<vmem>>) target_semaphore(%arg24 : memref<!tpu.dma_semaphore, #tpu.memory_space<semaphore_mem>>)
      %dma_wait3A_85 = arith.constant 0 : i32
      %dma_wait3A_86 = tpu.memref_slice %arg12[%dma_wait3A_85] : memref<100352xf32, #tpu.memory_space<vmem_shared>> -> memref<100352xf32, #tpu.memory_space<vmem_shared>>
      tpu.wait_indirect_dma semaphore(%arg25 : memref<!tpu.dma_semaphore, #tpu.memory_space<semaphore_mem>>) src(%dma_wait3A_86 : memref<100352xf32, #tpu.memory_space<vmem_shared>>) dst(%arg18 : memref<2000xf32, #tpu.memory_space<vmem>>)
      %dma_start3A_87 = arith.constant 0 : i32
      %dma_start3A_88 = tpu.memref_slice %arg14[%dma_start3A_87] : memref<100352xf32, #tpu.memory_space<vmem_shared>> -> memref<100352xf32, #tpu.memory_space<vmem_shared>>
      tpu.enqueue_indirect_dma source(%arg18 : memref<2000xf32, #tpu.memory_space<vmem>>) target(%dma_start3A_88 : memref<100352xf32, #tpu.memory_space<vmem_shared>>) offsets(%arg17 : memref<2000xi32, #tpu.memory_space<vmem>>) semaphore(%arg27 : memref<!tpu.dma_semaphore, #tpu.memory_space<semaphore_mem>>) {add = true}
      %dma_wait3A_89 = arith.constant 0 : i32
      %dma_wait3A_90 = tpu.memref_slice %arg13[%dma_wait3A_89] : memref<100352xf32, #tpu.memory_space<vmem_shared>> -> memref<100352xf32, #tpu.memory_space<vmem_shared>>
      tpu.wait_indirect_dma semaphore(%arg26 : memref<!tpu.dma_semaphore, #tpu.memory_space<semaphore_mem>>) src(%dma_wait3A_90 : memref<100352xf32, #tpu.memory_space<vmem_shared>>) dst(%arg19 : memref<2000xf32, #tpu.memory_space<vmem>>)
      %dma_start3A_91 = arith.constant 0 : i32
      %dma_start3A_92 = tpu.memref_slice %arg15[%dma_start3A_91] : memref<100352xf32, #tpu.memory_space<vmem_shared>> -> memref<100352xf32, #tpu.memory_space<vmem_shared>>
      tpu.enqueue_indirect_dma source(%arg19 : memref<2000xf32, #tpu.memory_space<vmem>>) target(%dma_start3A_92 : memref<100352xf32, #tpu.memory_space<vmem_shared>>) offsets(%arg17 : memref<2000xi32, #tpu.memory_space<vmem>>) semaphore(%arg27 : memref<!tpu.dma_semaphore, #tpu.memory_space<semaphore_mem>>) {add = true}
      %dma_wait3A_93 = arith.constant 0 : i32
      %dma_wait3A_94 = tpu.memref_slice %arg8[%dma_wait3A_93] : memref<6400000xi32, #tpu.memory_space<hbm>> -> memref<2000xi32, #tpu.memory_space<hbm>>
      %dma_wait3A_95 = arith.constant 0 : i32
      %dma_wait3A_96 = tpu.memref_slice %arg8[%dma_wait3A_95] : memref<6400000xi32, #tpu.memory_space<hbm>> -> memref<2000xi32, #tpu.memory_space<hbm>>
      tpu.wait_dma2 semaphore(%arg24 : memref<!tpu.dma_semaphore, #tpu.memory_space<semaphore_mem>>) src(%dma_wait3A_96 : memref<2000xi32, #tpu.memory_space<hbm>>) dst(%arg20 : memref<2000xi32, #tpu.memory_space<vmem>>)
      %dma_wait3A_97 = arith.constant 0 : i32
      %dma_wait3A_98 = tpu.memref_slice %arg8[%dma_wait3A_97] : memref<6400000xi32, #tpu.memory_space<hbm>> -> memref<2000xi32, #tpu.memory_space<hbm>>
      %dma_wait3A_99 = arith.constant 0 : i32
      %dma_wait3A_100 = tpu.memref_slice %arg8[%dma_wait3A_99] : memref<6400000xi32, #tpu.memory_space<hbm>> -> memref<2000xi32, #tpu.memory_space<hbm>>
      tpu.wait_dma2 semaphore(%arg24 : memref<!tpu.dma_semaphore, #tpu.memory_space<semaphore_mem>>) src(%dma_wait3A_100 : memref<2000xi32, #tpu.memory_space<hbm>>) dst(%arg21 : memref<2000xi32, #tpu.memory_space<vmem>>)
      %dma_start3A_101 = arith.constant 0 : i32
      %dma_start3A_102 = tpu.memref_slice %arg12[%dma_start3A_101] : memref<100352xf32, #tpu.memory_space<vmem_shared>> -> memref<100352xf32, #tpu.memory_space<vmem_shared>>
      tpu.enqueue_indirect_dma source(%dma_start3A_102 : memref<100352xf32, #tpu.memory_space<vmem_shared>>) target(%arg22 : memref<2000xf32, #tpu.memory_space<vmem>>) offsets(%arg20 : memref<2000xi32, #tpu.memory_space<vmem>>) semaphore(%arg25 : memref<!tpu.dma_semaphore, #tpu.memory_space<semaphore_mem>>)
      %dma_start3A_103 = arith.constant 0 : i32
      %dma_start3A_104 = tpu.memref_slice %arg13[%dma_start3A_103] : memref<100352xf32, #tpu.memory_space<vmem_shared>> -> memref<100352xf32, #tpu.memory_space<vmem_shared>>
      tpu.enqueue_indirect_dma source(%dma_start3A_104 : memref<100352xf32, #tpu.memory_space<vmem_shared>>) target(%arg23 : memref<2000xf32, #tpu.memory_space<vmem>>) offsets(%arg20 : memref<2000xi32, #tpu.memory_space<vmem>>) semaphore(%arg26 : memref<!tpu.dma_semaphore, #tpu.memory_space<semaphore_mem>>)
      %dma_wait3A_105 = arith.constant 0 : i32
      %dma_wait3A_106 = tpu.memref_slice %arg14[%dma_wait3A_105] : memref<100352xf32, #tpu.memory_space<vmem_shared>> -> memref<100352xf32, #tpu.memory_space<vmem_shared>>
      tpu.wait_indirect_dma semaphore(%arg27 : memref<!tpu.dma_semaphore, #tpu.memory_space<semaphore_mem>>) src(%arg18 : memref<2000xf32, #tpu.memory_space<vmem>>) dst(%dma_wait3A_106 : memref<100352xf32, #tpu.memory_space<vmem_shared>>)
      %dma_wait3A_107 = arith.constant 0 : i32
      %dma_wait3A_108 = tpu.memref_slice %arg15[%dma_wait3A_107] : memref<100352xf32, #tpu.memory_space<vmem_shared>> -> memref<100352xf32, #tpu.memory_space<vmem_shared>>
      tpu.wait_indirect_dma semaphore(%arg27 : memref<!tpu.dma_semaphore, #tpu.memory_space<semaphore_mem>>) src(%arg19 : memref<2000xf32, #tpu.memory_space<vmem>>) dst(%dma_wait3A_108 : memref<100352xf32, #tpu.memory_space<vmem_shared>>)
      %add3A_109 = arith.constant 1 : i32
      %add3A_110 = arith.addi %scan3A_57, %add3A_109 : i32
      %lt3A = arith.constant 25 : i32
      %lt3A_111 = arith.cmpi slt, %add3A_110, %lt3A : i32
      %convert_element_type3A_112 = arith.extui %lt3A_111 : i1 to i32
      %cond3A_113 = arith.constant 0 : i32
      %cond3A_114 = arith.cmpi ne, %convert_element_type3A_112, %cond3A_113 : i32
      scf.if %cond3A_114 {
        %mul3A_123 = arith.constant 2 : i32
        %mul3A_124 = arith.muli %mul3A_123, %scan3A_57 : i32
        %add3A_125 = arith.constant 2 : i32
        %add3A_126 = arith.addi %mul3A_124, %add3A_125 : i32
        %mul3A_127 = arith.constant 2000 : i32
        %mul3A_128 = arith.muli %add3A_126, %mul3A_127 : i32
        %add3A_129 = arith.addi %mul3A_23, %mul3A_128 : i32
        %add3A_130 = arith.constant 3200000 : i32
        %add3A_131 = arith.addi %add3A_130, %add3A_129 : i32
        %dma_start3A_132 = tpu.memref_slice %arg8[%add3A_131] : memref<6400000xi32, #tpu.memory_space<hbm>> -> memref<2000xi32, #tpu.memory_space<hbm>>
        %dma_start3A_133 = tpu.memref_slice %arg8[%add3A_131] : memref<6400000xi32, #tpu.memory_space<hbm>> -> memref<2000xi32, #tpu.memory_space<hbm>>
        tpu.enqueue_dma source(%dma_start3A_133 : memref<2000xi32, #tpu.memory_space<hbm>>) target(%arg16 : memref<2000xi32, #tpu.memory_space<vmem>>) target_semaphore(%arg24 : memref<!tpu.dma_semaphore, #tpu.memory_space<semaphore_mem>>)
        %dma_start3A_134 = tpu.memref_slice %arg8[%add3A_129] : memref<6400000xi32, #tpu.memory_space<hbm>> -> memref<2000xi32, #tpu.memory_space<hbm>>
        %dma_start3A_135 = tpu.memref_slice %arg8[%add3A_129] : memref<6400000xi32, #tpu.memory_space<hbm>> -> memref<2000xi32, #tpu.memory_space<hbm>>
        tpu.enqueue_dma source(%dma_start3A_135 : memref<2000xi32, #tpu.memory_space<hbm>>) target(%arg17 : memref<2000xi32, #tpu.memory_space<vmem>>) target_semaphore(%arg24 : memref<!tpu.dma_semaphore, #tpu.memory_space<semaphore_mem>>)
      } else {
      }
      %dma_wait3A_115 = arith.constant 0 : i32
      %dma_wait3A_116 = tpu.memref_slice %arg12[%dma_wait3A_115] : memref<100352xf32, #tpu.memory_space<vmem_shared>> -> memref<100352xf32, #tpu.memory_space<vmem_shared>>
      tpu.wait_indirect_dma semaphore(%arg25 : memref<!tpu.dma_semaphore, #tpu.memory_space<semaphore_mem>>) src(%dma_wait3A_116 : memref<100352xf32, #tpu.memory_space<vmem_shared>>) dst(%arg22 : memref<2000xf32, #tpu.memory_space<vmem>>)
      %dma_start3A_117 = arith.constant 0 : i32
      %dma_start3A_118 = tpu.memref_slice %arg14[%dma_start3A_117] : memref<100352xf32, #tpu.memory_space<vmem_shared>> -> memref<100352xf32, #tpu.memory_space<vmem_shared>>
      tpu.enqueue_indirect_dma source(%arg22 : memref<2000xf32, #tpu.memory_space<vmem>>) target(%dma_start3A_118 : memref<100352xf32, #tpu.memory_space<vmem_shared>>) offsets(%arg21 : memref<2000xi32, #tpu.memory_space<vmem>>) semaphore(%arg27 : memref<!tpu.dma_semaphore, #tpu.memory_space<semaphore_mem>>) {add = true}
      %dma_wait3A_119 = arith.constant 0 : i32
      %dma_wait3A_120 = tpu.memref_slice %arg13[%dma_wait3A_119] : memref<100352xf32, #tpu.memory_space<vmem_shared>> -> memref<100352xf32, #tpu.memory_space<vmem_shared>>
      tpu.wait_indirect_dma semaphore(%arg26 : memref<!tpu.dma_semaphore, #tpu.memory_space<semaphore_mem>>) src(%dma_wait3A_120 : memref<100352xf32, #tpu.memory_space<vmem_shared>>) dst(%arg23 : memref<2000xf32, #tpu.memory_space<vmem>>)
      %dma_start3A_121 = arith.constant 0 : i32
      %dma_start3A_122 = tpu.memref_slice %arg15[%dma_start3A_121] : memref<100352xf32, #tpu.memory_space<vmem_shared>> -> memref<100352xf32, #tpu.memory_space<vmem_shared>>
      tpu.enqueue_indirect_dma source(%arg23 : memref<2000xf32, #tpu.memory_space<vmem>>) target(%dma_start3A_122 : memref<100352xf32, #tpu.memory_space<vmem_shared>>) offsets(%arg21 : memref<2000xi32, #tpu.memory_space<vmem>>) semaphore(%arg27 : memref<!tpu.dma_semaphore, #tpu.memory_space<semaphore_mem>>) {add = true}
    }
    %scan3A_37 = arith.constant 25 : i32
    %dma_wait3A_38 = arith.constant 0 : i32
    %dma_wait3A_39 = tpu.memref_slice %arg14[%dma_wait3A_38] : memref<100352xf32, #tpu.memory_space<vmem_shared>> -> memref<100352xf32, #tpu.memory_space<vmem_shared>>
    tpu.wait_indirect_dma semaphore(%arg27 : memref<!tpu.dma_semaphore, #tpu.memory_space<semaphore_mem>>) src(%arg22 : memref<2000xf32, #tpu.memory_space<vmem>>) dst(%dma_wait3A_39 : memref<100352xf32, #tpu.memory_space<vmem_shared>>)
    %dma_wait3A_40 = arith.constant 0 : i32
    %dma_wait3A_41 = tpu.memref_slice %arg15[%dma_wait3A_40] : memref<100352xf32, #tpu.memory_space<vmem_shared>> -> memref<100352xf32, #tpu.memory_space<vmem_shared>>
    tpu.wait_indirect_dma semaphore(%arg27 : memref<!tpu.dma_semaphore, #tpu.memory_space<semaphore_mem>>) src(%arg23 : memref<2000xf32, #tpu.memory_space<vmem>>) dst(%dma_wait3A_41 : memref<100352xf32, #tpu.memory_space<vmem_shared>>)
    %barrier3A_42 = arith.constant 0 : index
    tpu.barrier barrier_id(%barrier3A_42)
    %mul3A_43 = arith.constant 2 : i32
    %mul3A_44 = arith.muli %arg0, %mul3A_43 : i32
    %add3A_45 = arith.constant 0 : i32
    %add3A_46 = arith.addi %mul3A_44, %add3A_45 : i32
    %mul3A_47 = arith.constant 100352 : i32
    %mul3A_48 = arith.muli %add3A_46, %mul3A_47 : i32
    %add3A_49 = arith.addi %mul3A_48, %mul3A_4 : i32
    "tpu.region"() ({
      %run_scoped3A = tpu.sem_alloc : memref<!tpu.dma_semaphore, #tpu.memory_space<semaphore_mem>>
      %dma_start3A_57 = tpu.memref_slice %arg9[%add3A_49] : memref<401408xf32, #tpu.memory_space<hbm>> -> memref<6272xf32, #tpu.memory_space<hbm>>
      %dma_start3A_58 = tpu.memref_slice %arg14[%mul3A_2] : memref<100352xf32, #tpu.memory_space<vmem_shared>> -> memref<6272xf32, #tpu.memory_space<vmem_shared>>
      tpu.enqueue_dma source(%dma_start3A_58 : memref<6272xf32, #tpu.memory_space<vmem_shared>>) target(%dma_start3A_57 : memref<6272xf32, #tpu.memory_space<hbm>>) target_semaphore(%run_scoped3A : memref<!tpu.dma_semaphore, #tpu.memory_space<semaphore_mem>>)
      %dma_wait3A_59 = tpu.memref_slice %arg9[%add3A_49] : memref<401408xf32, #tpu.memory_space<hbm>> -> memref<6272xf32, #tpu.memory_space<hbm>>
      %dma_wait3A_60 = tpu.memref_slice %arg14[%mul3A_2] : memref<100352xf32, #tpu.memory_space<vmem_shared>> -> memref<6272xf32, #tpu.memory_space<vmem_shared>>
      tpu.wait_dma2 semaphore(%run_scoped3A : memref<!tpu.dma_semaphore, #tpu.memory_space<semaphore_mem>>) src(%dma_wait3A_60 : memref<6272xf32, #tpu.memory_space<vmem_shared>>) dst(%dma_wait3A_59 : memref<6272xf32, #tpu.memory_space<hbm>>)
      tpu.yield
    }) : () -> ()
    %mul3A_50 = arith.constant 2 : i32
    %mul3A_51 = arith.muli %arg0, %mul3A_50 : i32
    %add3A_52 = arith.constant 1 : i32
    %add3A_53 = arith.addi %mul3A_51, %add3A_52 : i32
    %mul3A_54 = arith.constant 100352 : i32
    %mul3A_55 = arith.muli %add3A_53, %mul3A_54 : i32
    %add3A_56 = arith.addi %mul3A_55, %mul3A_4 : i32
    "tpu.region"() ({
      %run_scoped3A = tpu.sem_alloc : memref<!tpu.dma_semaphore, #tpu.memory_space<semaphore_mem>>
      %dma_start3A_57 = tpu.memref_slice %arg9[%add3A_56] : memref<401408xf32, #tpu.memory_space<hbm>> -> memref<6272xf32, #tpu.memory_space<hbm>>
      %dma_start3A_58 = tpu.memref_slice %arg15[%mul3A_2] : memref<100352xf32, #tpu.memory_space<vmem_shared>> -> memref<6272xf32, #tpu.memory_space<vmem_shared>>
      tpu.enqueue_dma source(%dma_start3A_58 : memref<6272xf32, #tpu.memory_space<vmem_shared>>) target(%dma_start3A_57 : memref<6272xf32, #tpu.memory_space<hbm>>) target_semaphore(%run_scoped3A : memref<!tpu.dma_semaphore, #tpu.memory_space<semaphore_mem>>)
      %dma_wait3A_59 = tpu.memref_slice %arg9[%add3A_56] : memref<401408xf32, #tpu.memory_space<hbm>> -> memref<6272xf32, #tpu.memory_space<hbm>>
      %dma_wait3A_60 = tpu.memref_slice %arg15[%mul3A_2] : memref<100352xf32, #tpu.memory_space<vmem_shared>> -> memref<6272xf32, #tpu.memory_space<vmem_shared>>
      tpu.wait_dma2 semaphore(%run_scoped3A : memref<!tpu.dma_semaphore, #tpu.memory_space<semaphore_mem>>) src(%dma_wait3A_60 : memref<6272xf32, #tpu.memory_space<vmem_shared>>) dst(%dma_wait3A_59 : memref<6272xf32, #tpu.memory_space<hbm>>)
      tpu.yield
    }) : () -> ()
    return
  }
}

module attributes {stable_mosaic.version = 14 : i64} {
  func.func @_tables_body(%arg0: memref<784x128xf32, #tpu.memory_space<vmem>>, %arg1: memref<784x128xf32, #tpu.memory_space<vmem>>, %arg2: memref<784x128xf32, #tpu.memory_space<vmem>>, %arg3: memref<784x128xf32, #tpu.memory_space<vmem>>, %arg4: memref<784x128xf32, #tpu.memory_space<vmem>>) attributes {dimension_semantics = [], scalar_prefetch = 0 : i64, scratch_operands = 0 : i64, tpu.core_type = #tpu.core_type<tc>} {
    %get3A = arith.constant 0 : index
    %get3A_0 = arith.constant 0 : index
    %get3A_1 = vector.load %arg0[%get3A, %get3A_0] : memref<784x128xf32, #tpu.memory_space<vmem>>, vector<784x128xf32>
    %mul3A = arith.constant 3.000000e+00 : f32
    %mul3A_2 = vector.broadcast %mul3A : f32 to vector<784x128xf32>
    %mul3A_3 = arith.mulf %mul3A_2, %get3A_1 : vector<784x128xf32>
    %exp3A = math.exp %mul3A_3 : vector<784x128xf32>
    %sub3A = arith.constant 1.000000e+00 : f32
    %sub3A_4 = vector.broadcast %sub3A : f32 to vector<784x128xf32>
    %sub3A_5 = arith.subf %sub3A_4, %get3A_1 : vector<784x128xf32>
    %mul3A_6 = arith.constant 3.000000e+00 : f32
    %mul3A_7 = vector.broadcast %mul3A_6 : f32 to vector<784x128xf32>
    %mul3A_8 = arith.mulf %mul3A_7, %sub3A_5 : vector<784x128xf32>
    %exp3A_9 = math.exp %mul3A_8 : vector<784x128xf32>
    %mul3A_10 = arith.mulf %get3A_1, %exp3A : vector<784x128xf32>
    %swap3A = arith.constant 0 : index
    %swap3A_11 = arith.constant 0 : index
    %swap3A_12 = vector.load %arg1[%swap3A, %swap3A_11] : memref<784x128xf32, #tpu.memory_space<vmem>>, vector<784x128xf32>
    tpu.vector_store %arg1[%swap3A, %swap3A_11], %mul3A_10 {strides = array<i32>} : memref<784x128xf32, #tpu.memory_space<vmem>>, vector<784x128xf32>,
    %swap3A_13 = arith.constant 0 : index
    %swap3A_14 = arith.constant 0 : index
    %swap3A_15 = vector.load %arg2[%swap3A_13, %swap3A_14] : memref<784x128xf32, #tpu.memory_space<vmem>>, vector<784x128xf32>
    tpu.vector_store %arg2[%swap3A_13, %swap3A_14], %exp3A {strides = array<i32>} : memref<784x128xf32, #tpu.memory_space<vmem>>, vector<784x128xf32>,
    %mul3A_16 = arith.mulf %sub3A_5, %exp3A_9 : vector<784x128xf32>
    %swap3A_17 = arith.constant 0 : index
    %swap3A_18 = arith.constant 0 : index
    %swap3A_19 = vector.load %arg3[%swap3A_17, %swap3A_18] : memref<784x128xf32, #tpu.memory_space<vmem>>, vector<784x128xf32>
    tpu.vector_store %arg3[%swap3A_17, %swap3A_18], %mul3A_16 {strides = array<i32>} : memref<784x128xf32, #tpu.memory_space<vmem>>, vector<784x128xf32>,
    %swap3A_20 = arith.constant 0 : index
    %swap3A_21 = arith.constant 0 : index
    %swap3A_22 = vector.load %arg4[%swap3A_20, %swap3A_21] : memref<784x128xf32, #tpu.memory_space<vmem>>, vector<784x128xf32>
    tpu.vector_store %arg4[%swap3A_20, %swap3A_21], %exp3A_9 {strides = array<i32>} : memref<784x128xf32, #tpu.memory_space<vmem>>, vector<784x128xf32>,
    return
  }
}

module attributes {stable_mosaic.version = 14 : i64} {
  func.func @_loss_body(%arg0: memref<2x2x784x128xf32, #tpu.memory_space<vmem>>, %arg1: memref<1x1xf32, #tpu.memory_space<smem>>) attributes {dimension_semantics = [], scalar_prefetch = 0 : i64, scratch_operands = 0 : i64, tpu.core_type = #tpu.core_type<tc>} {
    %get3A = arith.constant 0 : index
    %get3A_0 = arith.constant 0 : index
    %get3A_1 = arith.constant 0 : index
    %get3A_2 = arith.constant 0 : index
    %get3A_3 = vector.load %arg0[%get3A, %get3A_0, %get3A_1, %get3A_2] : memref<2x2x784x128xf32, #tpu.memory_space<vmem>>, vector<2x2x784x128xf32>
    %slice3A = vector.extract_strided_slice %get3A_3 {offsets = [0, 0, 0, 0], sizes = [1, 1, 784, 128], strides = [1, 1, 1, 1]} : vector<2x2x784x128xf32> to vector<1x1x784x128xf32>
    %squeeze3A = vector.shape_cast %slice3A : vector<1x1x784x128xf32> to vector<784x128xf32>
    %slice3A_4 = vector.extract_strided_slice %get3A_3 {offsets = [1, 0, 0, 0], sizes = [1, 1, 784, 128], strides = [1, 1, 1, 1]} : vector<2x2x784x128xf32> to vector<1x1x784x128xf32>
    %squeeze3A_5 = vector.shape_cast %slice3A_4 : vector<1x1x784x128xf32> to vector<784x128xf32>
    %add3A = arith.addf %squeeze3A, %squeeze3A_5 : vector<784x128xf32>
    %slice3A_6 = vector.extract_strided_slice %get3A_3 {offsets = [0, 1, 0, 0], sizes = [1, 1, 784, 128], strides = [1, 1, 1, 1]} : vector<2x2x784x128xf32> to vector<1x1x784x128xf32>
    %squeeze3A_7 = vector.shape_cast %slice3A_6 : vector<1x1x784x128xf32> to vector<784x128xf32>
    %slice3A_8 = vector.extract_strided_slice %get3A_3 {offsets = [1, 1, 0, 0], sizes = [1, 1, 784, 128], strides = [1, 1, 1, 1]} : vector<2x2x784x128xf32> to vector<1x1x784x128xf32>
    %squeeze3A_9 = vector.shape_cast %slice3A_8 : vector<1x1x784x128xf32> to vector<784x128xf32>
    %add3A_10 = arith.addf %squeeze3A_7, %squeeze3A_9 : vector<784x128xf32>
    %div3A = arith.divf %add3A, %add3A_10 : vector<784x128xf32>
    %sub3A = arith.constant 5.000000e-01 : f32
    %sub3A_11 = vector.broadcast %sub3A : f32 to vector<784x128xf32>
    %sub3A_12 = arith.subf %sub3A_11, %div3A : vector<784x128xf32>
    %mul3A = arith.constant 1.000000e+01 : f32
    %mul3A_13 = vector.broadcast %mul3A : f32 to vector<784x128xf32>
    %mul3A_14 = arith.mulf %mul3A_13, %sub3A_12 : vector<784x128xf32>
    %exp3A = math.exp %mul3A_14 : vector<784x128xf32>
    %add3A_15 = arith.constant 1.000000e+00 : f32
    %add3A_16 = vector.broadcast %add3A_15 : f32 to vector<784x128xf32>
    %add3A_17 = arith.addf %add3A_16, %exp3A : vector<784x128xf32>
    %div3A_18 = arith.constant 1.000000e+00 : f32
    %div3A_19 = vector.broadcast %div3A_18 : f32 to vector<784x128xf32>
    %div3A_20 = arith.divf %div3A_19, %add3A_17 : vector<784x128xf32>
    %add3A_21 = arith.constant 5.000000e-02 : f32
    %add3A_22 = vector.broadcast %add3A_21 : f32 to vector<784x128xf32>
    %add3A_23 = arith.addf %div3A_20, %add3A_22 : vector<784x128xf32>
    %log3A = math.log %add3A_23 : vector<784x128xf32>
    %iota3A = tpu.iota {dimensions = array<i32: 0>} : vector<784x128xi32>
    %iota3A_24 = tpu.iota {dimensions = array<i32: 1>} : vector<784x128xi32>
    %mul3A_25 = arith.constant 128 : i32
    %mul3A_26 = vector.broadcast %mul3A_25 : i32 to vector<784x128xi32>
    %mul3A_27 = arith.muli %iota3A, %mul3A_26 : vector<784x128xi32>
    %add3A_28 = arith.addi %mul3A_27, %iota3A_24 : vector<784x128xi32>
    %lt3A = arith.constant 100000 : i32
    %lt3A_29 = vector.broadcast %lt3A : i32 to vector<784x128xi32>
    %lt3A_30 = arith.cmpi slt, %add3A_28, %lt3A_29 : vector<784x128xi32>
    %jit3A = arith.constant 0.000000e+00 : f32
    %broadcast_in_dim3A = vector.broadcast %jit3A : f32 to vector<784x128xf32>
    %select_n3A = arith.select %lt3A_30, %log3A, %broadcast_in_dim3A : vector<784x128xi1>, vector<784x128xf32>
    %reduce_sum3A = vector.shape_cast %select_n3A : vector<784x128xf32> to vector<1x784x128xf32>
    %reduce_sum3A_31 = arith.constant dense<0.000000e+00> : vector<1xf32>
    %reduce_sum3A_32 = vector.multi_reduction <add>, %reduce_sum3A, %reduce_sum3A_31 [1, 2] : vector<1x784x128xf32> to vector<1xf32>
    %reduce_sum3A_33 = vector.shape_cast %reduce_sum3A_32 : vector<1xf32> to vector<1x1x1xf32>
    %reduce_sum3A_34 = vector.extract %reduce_sum3A_33[0, 0, 0] : f32 from vector<1x1x1xf32>
    %neg3A = arith.constant 0.000000e+00 : f32
    %neg3A_35 = arith.subf %neg3A, %reduce_sum3A_34 : f32
    %swap3A = arith.constant 0 : index
    %swap3A_36 = arith.constant 0 : index
    %swap3A_37 = memref.load %arg1[%swap3A, %swap3A_36] : memref<1x1xf32, #tpu.memory_space<smem>>
    memref.store %neg3A_35, %arg1[%swap3A, %swap3A_36] : memref<1x1xf32, #tpu.memory_space<smem>>
    return
  }
}

</mosaic_0001>

<sc_bundles>
// kernel: kernel.5.cloned.1.call-start
scs
__scs_entry_jumppad:
0x0: {  	(pc) =	sbr.rel $0x88, $3  }
0x1: {  	(tag) =	ssettag $0x0;
	lr =	simm.s32 $0x1  }
0x2: {  	[smem:$0x3F9E] =	sst lr;
	_ =	strace $0xD0000000  }
0x3: {  	_ = 	snop  }
0x4: {  	_ = 	snop  }
0x5: {  	_ = 	snop  }
0x6: {  	_ = 	snop  }
0x7: {  	_ = 	snop  }
__scs_overlays_trampoline_lowered:
0x8: {  	[smem:$0x3FAD] =	sst s0  }
0x9: {  	[smem:$0x3FAE] =	sst s1  }
0xa: {  	[smem:$0x3FAF] =	sst s2  }
0xb: {  	[smem:$0x3FB0] =	sst s3  }
0xc: {  	[smem:$0x3FB1] =	sst s4  }
0xd: {  	[smem:$0x3FB2] =	sst s5  }
0xe: {  	[smem:$0x3FB3] =	sst s6  }
0xf: {  	[smem:$0x3FB4] =	sst s7  }
0x10: {  	[smem:$0x3FB5] =	sst s8  }
0x11: {  	[smem:$0x3FB6] =	sst s9;
	s0 =	simm.s32 @!p0 $0x0  }
0x12: {  	s1 =	sld [smem:$0x3F9C];
	s0 =	simm.s32 @p0 $0x1  }
0x13: {  	[smem:$0x3FB7] =	sst s0;
	s0 =	simm.s32 @!p1 $0x0  }
0x14: {  	s2 =	sld [smem:$0x3F9B];
	s0 =	simm.s32 @p1 $0x1  }
0x15: {  	[smem:$0x3FB8] =	sst s0;
	s0 =	simm.s32 @!p2 $0x0  }
0x16: {  	s3 =	sld [smem:$0x3FDB];
	s0 =	simm.s32 @p2 $0x1  }
0x17: {  	s4 =	simm.s32 $0x1BF5;
	[smem:$0x3FBA] =	sst s0  }
0x18: {  	s0 =	sld [smem:$0x3F9D];
	_ =	swait.ge [sflag:s4], $0x0  }
0x19: {  	s7 =	sld [smem:$0x3F9E]  }
0x1a: {  	s8 =	sadd.s32 $0xFFFFE003, lr  }
0x1b: {  	s9 =	sadd.s32 $0xFFFFFEF7, lr;
	s5 =	simm.s32 $0xFFFFFFFF;
	p2 =	slt.u32 s8, $0xFFFFF086  }
0x1c: {  	p1 =	slt.u32 s9, $0xF7A;
	s5 =	simm.s32 @!p2 $0x0  }
0x1d: {  	s5 =	simm.s32 @p1 $0x1;
	p0 =	seq.s32 s7, s2  }
0x1e: {  	s7 =	smul.u32 @!p0 $0xF7A, s2;
	p2 =	seq.s32 @!p0 s5, $0x0  }
0x1f: {  	s9 =	smul.u32 $0xF7A, s1;
	s8 =	simm.s32 @!p0 $0x1BF5;
	p2 =	por !p2, p0  }
0x20: {  	[sflag:s8] =	ssyncset.s32 @!p0 $0xFFFFF086;
	s6 =	sadd.s32 @!p0 s3, s7;
	s7 =	simm.s32 @!p0 $0x108  }
0x21: {  	s3 =	sadd.s32 s3, s9;
	s6 =	sadd.s32 @!p0 $0x88, s6;
	s7 =	simm.s32 @p2 $0x1082  }
0x22: {  	[simem:s7], [sflag:s8] =	dma.local @!p0 [hbm:s6], $0xF7A  }
0x23: {  	s9 =	sor.u32 $0xD0000000, s2;
	s6 =	simm.s32 $0x108;
	_ =	swait.ge @!p0 [sflag:s8], $0x0  }
0x24: {  	s3 =	sadd.s32 $0x88, s3;
	s6 =	simm.s32 @!p1 $0x1082;
	[sflag:s4] =	ssyncset.s32 $0xFFFFF086  }
0x25: {  	[simem:s6], [sflag:s4] =	dma.local [hbm:s3], $0xF7A  }
0x26: {  	[smem:$0x3F9E] =	sst s1;
	(tag) =	ssettag s2;
	_ =	strace s9  }
0x27: {  	s1 =	sld [smem:$0x3FAE]  }
0x28: {  	s2 =	sld [smem:$0x3FAF]  }
0x29: {  	s4 =	sld [smem:$0x3FB1]  }
0x2a: {  	p0 =	seq.s32 s5, $0x0;
	s5 =	sld [smem:$0x3FB2]  }
0x2b: {  	s6 =	sld [smem:$0x3FB3]  }
0x2c: {  	s7 =	sld [smem:$0x3FB4]  }
0x2d: {  	s3 =	simm.s32 $0x108;
	s8 =	sld [smem:$0x3FB5]  }
0x2e: {  	s3 =	simm.s32 @!p0 $0x1082;
	s9 =	sld [smem:$0x3FB6]  }
0x2f: {  	lr =	sadd.s32 s0, s3;
	s0 =	sld [smem:$0x3FAD]  }
0x30: {  	s3 =	sld [smem:$0x3FB0]  }
0x31: {  	[smem:$0x3FB9] =	sst s10  }
0x32: {  	s10 =	sld [smem:$0x3FB7];
	_ =	sdelay $0x3  }
0x33: {  	p0 =	seq.s32 s10, $0x1;
	s10 =	sld [smem:$0x3FB9];
	_ =	sdelay $0x3  }
0x34: {  	[smem:$0x3FB9] =	sst s10  }
0x35: {  	s10 =	sld [smem:$0x3FB8];
	_ =	sdelay $0x3  }
0x36: {  	p1 =	seq.s32 s10, $0x1;
	s10 =	sld [smem:$0x3FB9];
	_ =	sdelay $0x3  }
0x37: {  	[smem:$0x3FB9] =	sst s10  }
0x38: {  	s10 =	sld [smem:$0x3FBA]  }
0x39: {  	_ = 	snop;
	(pc) =	sbr.ind lr, $3  }
0x3a: {  	_ = 	snop  }
0x3b: {  	_ = 	snop  }
0x3c: {  	p2 =	seq.s32 s10, $0x1;
	s10 =	sld [smem:$0x3FB9]  }
0x3d: {  	_ =	shalt  }
0x3e: {  	_ =	shalt  }
0x3f: {  	_ =	shalt  }
0x40: {  	_ =	shalt  }
0x41: {  	_ =	shalt  }
0x42: {  	_ =	shalt  }
0x43: {  	_ =	shalt  }
0x44: {  	_ =	shalt  }
0x45: {  	_ =	shalt  }
0x46: {  	_ =	shalt  }
0x47: {  	_ =	shalt  }
0x48: {  	_ =	shalt  }
0x49: {  	_ =	shalt  }
0x4a: {  	_ =	shalt  }
0x4b: {  	_ =	shalt  }
0x4c: {  	_ =	shalt  }
0x4d: {  	_ =	shalt  }
0x4e: {  	_ =	shalt  }
0x4f: {  	_ =	shalt  }
0x50: {  	_ =	shalt  }
0x51: {  	_ =	shalt  }
0x52: {  	_ =	shalt  }
0x53: {  	_ =	shalt  }
0x54: {  	_ =	shalt  }
0x55: {  	_ =	shalt  }
0x56: {  	_ =	shalt  }
0x57: {  	_ =	shalt  }
0x58: {  	_ =	shalt  }
0x59: {  	_ =	shalt  }
0x5a: {  	_ =	shalt  }
0x5b: {  	_ =	shalt  }
0x5c: {  	_ =	shalt  }
0x5d: {  	_ =	shalt  }
0x5e: {  	_ =	shalt  }
0x5f: {  	_ =	shalt  }
0x60: {  	_ =	shalt  }
0x61: {  	_ =	shalt  }
0x62: {  	_ =	shalt  }
0x63: {  	_ =	shalt  }
0x64: {  	_ =	shalt  }
0x65: {  	_ =	shalt  }
0x66: {  	_ =	shalt  }
0x67: {  	_ =	shalt  }
0x68: {  	_ =	shalt  }
0x69: {  	_ =	shalt  }
0x6a: {  	_ =	shalt  }
0x6b: {  	_ =	shalt  }
0x6c: {  	_ =	shalt  }
0x6d: {  	_ =	shalt  }
0x6e: {  	_ =	shalt  }
0x6f: {  	_ =	shalt  }
0x70: {  	_ =	shalt  }
0x71: {  	_ =	shalt  }
0x72: {  	_ =	shalt  }
0x73: {  	_ =	shalt  }
0x74: {  	_ =	shalt  }
0x75: {  	_ =	shalt  }
0x76: {  	_ =	shalt  }
0x77: {  	_ =	shalt  }
0x78: {  	_ =	shalt  }
0x79: {  	_ =	shalt  }
0x7a: {  	_ =	shalt  }
0x7b: {  	_ =	shalt  }
0x7c: {  	_ =	shalt  }
0x7d: {  	_ =	shalt  }
0x7e: {  	_ =	shalt  }
0x7f: {  	_ =	shalt  }
0x80: {  	_ =	shalt  }
0x81: {  	_ =	shalt  }
0x82: {  	_ =	shalt  }
0x83: {  	_ =	shalt  }
0x84: {  	_ =	shalt  }
0x85: {  	_ =	shalt  }
0x86: {  	_ =	shalt  }
0x87: {  	_ =	shalt  }
.Lfunc_end0:
.L_simem_size_0:
called_computation_lowered:
.L_overlay_start_0:
0x88: {  	s2 =	sld [smem:$0x3FD9]  }
0x89: {  	s3 =	sld [smem:$0x3FFE];
	_ =	sdelay $0x1  }
0x8a: {  	s1 =	srdreg.scid  }
0x8b: {  	s0 =	sand.u32 $0x1, s1  }
0x8c: {  	s16 =	sshll.u32 s0, $0xA;
	s2 =	sadd.s32 s3, s2  }
0x8d: {  	s2 =	sadd.s32 s2, s16  }
0x8e: {  	[smem:$0x3FC5] =	sst s2  }
0x8f: {  	_ = 	snop  }
0x90: {  	(tm) =	ssettm $0x1  }
0x91: {  	s17 =	sld [smem:$0x3FFB];
	_ =	sdelay $0x3  }
0x92: {  	_ =	strace s17  }
0x93: {  	s2 =	sld [smem:$0x3FFC];
	_ =	sdelay $0x3  }
0x94: {  	_ =	strace s2  }
0x95: {  	s2 =	sld [smem:$0x3FFD];
	_ =	sdelay $0x3  }
0x96: {  	_ =	strace s2  }
0x97: {  	_ =	strace $0x8FFFFFFF  }
0x98: {  	s18 =	sld [smem:$0x3FDB];
	_ =	sdelay $0x1  }
0x99: {  	s19 =	simm.s32 $_scs_section_size  }
0x9a: {  	s4 =	simm.s32 $_size__tile_overlayer_lowered;
	s5 =	simm.s32 $_tile_overlayer_lowered  }
0x9b: {  	s22 =	simm.s32 $0x1BFF;
	s21 =	sshll.u32 s5, $0x1;
	s2 =	sadd.s32 s19, s18  }
0x9c: {  	s6 =	simm.s32 $0x0;
	s20 =	sshll.u32 s4, $0x1;
	s4 =	sadd.s32 s21, s2  }
0x9d: {  	[timem:s6], [sflag:s22] =	dma.local [hbm:s4], s20  }
0x9e: {  	_ =	swait.ge [sflag:s22], s20  }
0x9f: {  	s3 =	ssub.s32 $0x0, s20;
	[sflag:s22] =	ssyncset.done $0x0  }
0xa0: {  	[sflag:s22] =	ssyncadd.s32 s3;
	_ =	sdelay $0x1  }
0xa1: {  	s23 =	simm.s32 $0x1B8B  }
0xa2: {  	_ =	swait.ge [sflag:s23], $0x1  }
0xa3: {  	[sflag:s23] =	ssyncset.done $0x0  }
0xa4: {  	s25 =	simm.s32 $0x1B8E;
	s24 =	sld [smem:$0x3FFE];
	[sflag:s23] =	ssyncadd.s32 $0xFFFFFFFF  }
0xa5: {  	s26 =	simm.s32 $execute0_lowered;
	[smem:$0x3FD2] =	sst s25  }
0xa6: {  	s4 =	sshll.u32 s26, $0x1;
	_ =	strace $0x80000046;
	[dreg:$0x1] =	wrdreg $0xFFFFFFFF  }
0xa7: {  	s28 =	simm.s32 $_size_execute0_lowered;
	s2 =	sadd.s32 s2, s4;
	[dreg:$0x0] =	wrdreg $0x0  }
0xa8: {  	s4 =	sshll.u32 s28, $0x1;
	[dreg:$0x2] =	wrdreg s2  }
0xa9: {  	[dreg:$0x3] =	wrdreg s4  }
0xaa: {  	[dreg:$0x4] =	wrdreg $0xC0  }
0xab: {  	_ =	task [dreg:s6], $0x5FFFF  }
0xac: {  	[dreg:$0x1] =	wrdreg $0xFFFFFFFF  }
0xad: {  	[dreg:$0x0] =	wrdreg $0x60  }
0xae: {  	[dreg:$0x2] =	wrdreg s24  }
0xaf: {  	[dreg:$0x3] =	wrdreg $0x0  }
0xb0: {  	[dreg:$0x4] =	wrdreg $0x18800  }
0xb1: {  	[dreg:$0x5] =	wrdreg $0x31000  }
0xb2: {  	[dreg:$0x6] =	wrdreg $0x49800  }
0xb3: {  	[dreg:$0x7] =	wrdreg $0x62000  }
0xb4: {  	[dreg:$0x8] =	wrdreg $0x7A800  }
0xb5: {  	[dreg:$0x9] =	wrdreg $0x9  }
0xb6: {  	_ =	task.clear_ibuf [dreg:s6], $0xAFFFF;
	_ =	strace $0x90000046  }
0xb7: {  	s29 =	simm.s32 $0x9;
	_ =	strace $0x80000048  }
0xb8: {  	_ =	swait.ge [sflag:s29], $0x1  }
0xb9: {  	[sflag:s29] =	ssyncadd.s32 $0xFFFFFFFF  }
0xba: {  	_ =	strace $0x90000048  }
0xbb: {  	_ =	sfence  }
0xbc: {  	s30 =	sld [smem:$0x0];
	_ =	sdelay $0x2  }
0xbd: {  	s31 =	sshll.u32 s1, $0xD;
	s1 =	sshrl.u32 s1, $0x2  }
0xbe: {  	s3 =	sand.u32 $0x4000, s31;
	s1 =	sadd.s32 s1, s30  }
0xbf: {  	s0 =	sor.u32 s3, s0;
	s1 =	sshll.u32 s1, $0x11  }
0xc0: {  	s0 =	sor.u32 s1, s0  }
0xc1: {  	s0 =	sadd.s32 $0x8F2B, s0  }
0xc2: {  	[sflag:s0] =	ssyncadd.remote.s32 $0x1  }
0xc3: {  	_ =	sfence.sel $0xFFFF  }
0xc4: {  	[dreg:$0x0] =	wrdreg $0xFFFFFFFF;
	(pc) =	sbr.abs _section_cstart, $3  }
0xc5: {  	[dreg:$0x1] =	wrdreg $0xFFFFFFFF  }
0xc6: {  	_ =	task.clear_ibuf [dreg:s6], $0x2FFFF;
	_ =	strace $0x9FFFFFFF  }
0xc7: {  	(tm) =	ssettm $0x7FFFFFFF  }
tec
execute0_lowered:
.L_overlay_start_1:
0x0: {  	(tag) =	ssettag $0x1  }
0x1: {  	s2 =	rddreg [dreg:$0x0]  }
0x2: {  	s0 =	rddreg [dreg:$0x1]  }
0x3: {  	s1 =	rddreg [dreg:$0x2]  }
0x4: {  	s3 =	rddreg [dreg:$0x3]  }
0x5: {  	s5 =	rddreg [dreg:$0x4]  }
0x6: {  	s6 =	rddreg [dreg:$0x5]  }
0x7: {  	s7 =	rddreg [dreg:$0x6]  }
0x8: {  	s18 =	stileid.u32;
	s9 =	srdreg.scid;
	s8 =	simm.s32 $0x0  }
0x9: {  	s30 =	simm.s32 $0x4;
	s4 =	smul.u32 $0x1880, s18;
	s11 =	sand.u32 $0x1, s9  }
0xa: {  	[smem:$0x7FF] =	sst s8;
	s9 =	sadd.s32 $0xF000, s2;
	s17 =	smul.u32 $0x186A0, s18  }
0xb: {  	s10 =	sadd.s32 $0xD2600, s2;
	s22 =	sshll.u32 s18, $0x6;
	s12 =	smul.u32 $0x31000, s11  }
0xc: {  	_ =	strace $0x80000047;
	s14 =	ssub.s32 $0x2, s11;
	s15 =	smul.u32 $0x186A00, s11  }
0xd: {  	s11 =	sshll.u32 s11, $0x4;
	s21 =	sshrl.u32 s4, $0x3;
	s16 =	sshrl.u32 s14, $0x1  }
0xe: {  	s11 =	sor.u32 s18, s11;
	s18 =	sadd.s32 s4, s1;
	s13 =	sadd.s32 s21, s2  }
0xf: {  	s12 =	sadd.s32 s4, s12;
	s14 =	ssub.s32 s14, s16;
	s16 =	sadd.s32 s4, s0  }
0x10: {  	s15 =	sadd.s32 s17, s15;
	s21 =	sadd.s32 s4, s3;
	s23 =	sadd.s32 $0x2800, s13  }
0x11: {  	s12 =	sshrl.u32 s12, $0x3;
	s20 =	sadd.s32 $0x5A00, s13;
	[dreg:$0xc] =	wrdreg s23  }
0x12: {  	s31 =	sadd.s32 $0x8C00, s13;
	s2 =	sadd.s32 s12, s2;
	[dreg:$0xe] =	wrdreg s20  }
0x13: {  	s12 =	sor.u32 $0x1C05, s22;
	[dreg:$0xf] =	wrdreg s31;
	s22 =	sadd.s32 $0xBE00, s13  }
0x14: {  	s24 =	sadd.s32 $0x30E3A0, s15;
	s13 =	sadd.s32 $0x195C00, s13;
	[dreg:$0x10] =	wrdreg s22  }
0x15: {  	s17 =	sshrl.u32 s24, $0x3;
	s24 =	sadd.s32 s4, s6;
	[dreg:$0x11] =	wrdreg s13  }
0x16: {  	s11 =	smul.u32 $0x186A0, s11;
	s19 =	sadd.s32 $0x7D0, s15;
	[dreg:$0x12] =	wrdreg s24  }
0x17: {  	s19 =	sshrl.u32 s19, $0x3;
	s25 =	sadd.s32 s17, s9;
	[dreg:$0xd] =	wrdreg s12  }
0x18: {  	s11 =	sshrl.u32 s11, $0x3;
	s26 =	sadd.s32 s19, s9;
	[dreg:$0x8] =	wrdreg s25  }
0x19: {  	s17 =	sadd.s32 s17, s10;
	s20 =	sadd.s32 s19, s10;
	[dreg:$0x9] =	wrdreg s26  }
0x1a: {  	s19 =	sadd.s32 s4, s5;
	s23 =	sadd.s32 $0x61A80, s11;
	[dreg:$0xa] =	wrdreg s17  }
0x1b: {  	s4 =	sadd.s32 s4, s7;
	s31 =	sadd.s32 s9, s11;
	[dreg:$0xb] =	wrdreg s20  }
0x1c: {  	s13 =	sadd.s32 $0x198E00, s2;
	s2 =	sadd.s32 $0x19BF00, s2;
	[dreg:$0x13] =	wrdreg s4  }
0x1d: {  	s22 =	smax.u32 s14, $0x1;
	s24 =	sshrl.u32 s16, $0x3;
	[dreg:$0x16] =	wrdreg s31  }
0x1e: {  	s14 =	simm.s32 $0x9B00;
	s25 =	sadd.s32 s9, s23;
	[dreg:$0x17] =	wrdreg s13  }
0x1f: {  	s26 =	sadd.s32 s10, s23;
	s17 =	sadd.s32 s10, s11;
	[dreg:$0x19] =	wrdreg s2  }
0x20: {  	s20 =	sadd.s32 $0x30DBD0, s15;
	[dreg:$0x1a] =	wrdreg s22;
	s23 =	sadd.s32 $0xFA0, s15  }
0x21: {  	[dreg:$0x1c] =	wrdreg s24;
	s31 =	sshrl.u32 s19, $0x3;
	s11 =	simm.s32 $0x5  }
0x22: {  	s13 =	simm.s32 $0x9300;
	s15 =	simm.s32 $0x1;
	[dreg:$0x14] =	wrdreg s25  }
0x23: {  	s19 =	simm.s32 $0xAB00;
	s22 =	simm.s32 $0x2;
	[dreg:$0x15] =	wrdreg s26  }
0x24: {  	s24 =	simm.s32 $0xC300;
	s4 =	simm.s32 $0x0;
	[dreg:$0x18] =	wrdreg s17  }
0x25: {  	[dreg:$0x1b] =	wrdreg s23;
	s2 =	sshrl.u32 s20, $0x3;
	s25 =	sshrl.u32 s18, $0x3  }
0x26: {  	s26 =	sshrl.u32 s21, $0x3;
	[dreg:$0x1f] =	wrdreg s31;
	s17 =	simm.s32 $0x7D0  }
0x27: {  	s18 =	simm.s32 $0xA300;
	s20 =	simm.s32 $0xB300;
	s21 =	simm.s32 $0xBB00  }
0x28: {  	s23 =	simm.s32 $0x3;
	s28 =	sadd.s32 s2, s9;
	[dreg:$0x1d] =	wrdreg s25  }
0x29: {  	s29 =	sadd.s32 s2, s10;
	[dreg:$0x1e] =	wrdreg s26;
	s25 =	simm.s32 $0xCB00  }
.LBB2_1:
0x2a: {  	[smem:$0x7FB] =	sst s4  }
0x2b: {  	s2 =	rddreg [dreg:$0xc]  }
0x2c: {  	s16 =	rddreg [dreg:$0x1c]  }
0x2d: {  	[spmem:s16], [sflag:s12] =	dma.local [hbm:s2], $0x310  }
0x2e: {  	_ =	swait.ge [sflag:s11], $0x310  }
0x2f: {  	[sflag:s11] =	ssyncset.done $0x0;
	s26 =	rddreg [dreg:$0xe]  }
0x30: {  	s31 =	rddreg [dreg:$0x1d];
	[sflag:s11] =	ssyncadd.s32 $0xFFFFFCF0  }
0x31: {  	[spmem:s31], [sflag:s12] =	dma.local [hbm:s26], $0x310  }
0x32: {  	_ =	swait.ge [sflag:s11], $0x310  }
0x33: {  	[sflag:s11] =	ssyncset.done $0x0;
	s4 =	rddreg [dreg:$0xf]  }
0x34: {  	s16 =	rddreg [dreg:$0x1e];
	[sflag:s11] =	ssyncadd.s32 $0xFFFFFCF0  }
0x35: {  	[spmem:s16], [sflag:s12] =	dma.local [hbm:s4], $0x310  }
0x36: {  	_ =	swait.ge [sflag:s11], $0x310  }
0x37: {  	[sflag:s11] =	ssyncset.done $0x0;
	s26 =	rddreg [dreg:$0x10]  }
0x38: {  	s31 =	rddreg [dreg:$0x1f];
	[sflag:s11] =	ssyncadd.s32 $0xFFFFFCF0  }
0x39: {  	[spmem:s31], [sflag:s12] =	dma.local [hbm:s26], $0x310  }
0x3a: {  	_ =	swait.ge [sflag:s11], $0x310  }
0x3b: {  	s4 =	rddreg [dreg:$0x12]  }
0x3c: {  	[sflag:s11] =	ssyncset.done $0x0;
	s26 =	rddreg [dreg:$0x11];
	s16 =	sshrl.u32 s4, $0x3  }
0x3d: {  	[sflag:s11] =	ssyncadd.s32 $0xFFFFFCF0;
	[smem:$0x7FC] =	sst s16  }
0x3e: {  	[spmem:s16], [sflag:s12] =	dma.local [hbm:s26], $0x310  }
0x3f: {  	_ =	swait.ge [sflag:s11], $0x310  }
0x40: {  	s31 =	rddreg [dreg:$0x13]  }
0x41: {  	[sflag:s11] =	ssyncset.done $0x0;
	s4 =	sshrl.u32 s31, $0x3  }
0x42: {  	[sflag:s11] =	ssyncadd.s32 $0xFFFFFCF0;
	[smem:$0x7FD] =	sst s4  }
0x43: {  	[spmem:s4], [sflag:s12] =	dma.local [hbm:s26], $0x310  }
0x44: {  	_ =	swait.ge [sflag:s11], $0x310  }
0x45: {  	[sflag:s11] =	ssyncset.done $0x0  }
0x46: {  	[sflag:s11] =	ssyncadd.s32 $0xFFFFFCF0  }
0x47: {  	[bflag:$0x0] =	sbarrier.arrive $0xFFFF  }
0x48: {  	s16 =	rddreg [dreg:$0x14]  }
0x49: {  	[tilespmem:s13], [sflag:$0x1] =	stream.linear.gather [hbm4b:s16+s8], $0x7D0, $0x38;
	[tilespmem:$0xD300] =	vst v63  }
0x4a: {  	s26 =	rddreg [dreg:$0x16]  }
0x4b: {  	[tilespmem:s14], [sflag:$0x1] =	stream.linear.gather [hbm4b:s26+s8], $0x7D0, $0x38;
	[tilespmem:$0xD300] =	vst v63  }
0x4c: {  	_ =	swait.ge [sflag:s15], $0x7D0  }
0x4d: {  	[sflag:s15] =	ssyncset.done $0x0  }
0x4e: {  	[sflag:s15] =	ssyncadd.s32 $0xFFFFF830  }
0x4f: {  	_ =	swait.ge [sflag:s15], $0x7D0  }
0x50: {  	[sflag:s15] =	ssyncset.done $0x0  }
0x51: {  	p0 =	por $0x1, $0x1;
	[sflag:s15] =	ssyncadd.s32 $0xFFFFF830  }
0x52: {  	[tilespmem:s18], [sflag:$0x2] =	stream.indirect.gather [spmem:s0], $0x1, s13, s17, $0xb8;
	[tilespmem:$0xD300] =	vst v63  }
0x53: {  	s2 =	simm.s32 @!p0 $0x4  }
0x54: {  	[tilespmem:s19], [sflag:$0x3] =	stream.indirect.gather [spmem:s1], $0x1, s13, s17, $0xb8;
	[tilespmem:$0xD300] =	vst v63  }
0x55: {  	_ =	swait.ge @!p0 [sflag:s2], $0x7D0  }
0x56: {  	[sflag:s2] =	ssyncset.done @!p0 $0x0  }
0x57: {  	[sflag:s2] =	ssyncadd.s32 @!p0 $0xFFFFF830  }
0x58: {  	_ =	swait.ge @!p0 [sflag:s2], $0x7D0  }
0x59: {  	[sflag:s2] =	ssyncset.done @!p0 $0x0  }
0x5a: {  	s26 =	sadd.s32 $0x0, s28;
	s16 =	rddreg [dreg:$0x9];
	[sflag:s2] =	ssyncadd.s32 @!p0 $0xFFFFF830  }
0x5b: {  	[tilespmem:s20], [sflag:$0x1] =	stream.linear.gather [hbm4b:s26+s8], $0x7D0, $0x38;
	[tilespmem:$0xD300] =	vst v63  }
0x5c: {  	s31 =	sadd.s32 $0x0, s16  }
0x5d: {  	[tilespmem:s21], [sflag:$0x1] =	stream.linear.gather [hbm4b:s31+s8], $0x7D0, $0x38;
	[tilespmem:$0xD300] =	vst v63  }
0x5e: {  	_ =	swait.ge [sflag:s22], $0x7D0  }
0x5f: {  	[sflag:s22] =	ssyncset.done $0x0  }
0x60: {  	[sflag:s22] =	ssyncadd.s32 $0xFFFFF830  }
0x61: {  	[spmem:s6] =	stream.indirect.scatter.add.f32 [tilespmem:s18], [sflag:$0x4], $0x1, s14, s17, $0xb8;
	[tilespmem:$0xD300] =	vst v63  }
0x62: {  	_ =	swait.ge [sflag:s23], $0x7D0  }
0x63: {  	[sflag:s23] =	ssyncset.done $0x0  }
0x64: {  	[sflag:s23] =	ssyncadd.s32 $0xFFFFF830  }
0x65: {  	[spmem:s7] =	stream.indirect.scatter.add.f32 [tilespmem:s19], [sflag:$0x4], $0x1, s14, s17, $0xb8;
	[tilespmem:$0xD300] =	vst v63  }
0x66: {  	_ =	swait.ge [sflag:s15], $0x7D0  }
0x67: {  	[sflag:s15] =	ssyncset.done $0x0  }
0x68: {  	[sflag:s15] =	ssyncadd.s32 $0xFFFFF830  }
0x69: {  	_ =	swait.ge [sflag:s15], $0x7D0  }
0x6a: {  	[sflag:s15] =	ssyncset.done $0x0  }
0x6b: {  	[sflag:s15] =	ssyncadd.s32 $0xFFFFF830  }
0x6c: {  	[tilespmem:s24], [sflag:$0x2] =	stream.indirect.gather [spmem:s0], $0x1, s20, s17, $0xb8;
	[tilespmem:$0xD300] =	vst v63  }
0x6d: {  	_ = 	snop  }
0x6e: {  	[tilespmem:s25], [sflag:$0x3] =	stream.indirect.gather [spmem:s1], $0x1, s20, s17, $0xb8;
	[tilespmem:$0xD300] =	vst v63  }
0x6f: {  	_ =	swait.ge [sflag:s30], $0x7D0  }
0x70: {  	[sflag:s30] =	ssyncset.done $0x0  }
0x71: {  	p0 =	por $0x0, $0x0;
	[sflag:s30] =	ssyncadd.s32 $0xFFFFF830  }
0x72: {  	s16 =	simm.s32 @!p0 $0x0;
	_ =	swait.ge [sflag:s30], $0x7D0  }
0x73: {  	s26 =	simm.s32 @!p0 $0x9300;
	s2 =	rddreg [dreg:$0x8];
	[sflag:s30] =	ssyncset.done $0x0  }
0x74: {  	s4 =	rddreg [dreg:$0x1b];
	[sflag:s30] =	ssyncadd.s32 $0xFFFFF830;
	s2 =	sadd.s32 @!p0 $0x0, s2  }
0x75: {  	[tilespmem:s26], [sflag:$0x1] =	stream.linear.gather @!p0 [hbm4b:s2+s16], $0x7D0, $0x38;
	[tilespmem:$0xD300] =	vst v63  }
0x76: {  	s2 =	sshrl.u32 @!p0 s4, $0x3  }
0x77: {  	s26 =	simm.s32 @!p0 $0x9B00;
	s2 =	sadd.s32 @!p0 s9, s2  }
0x78: {  	[tilespmem:s26], [sflag:$0x1] =	stream.linear.gather @!p0 [hbm4b:s2+s16], $0x7D0, $0x38;
	[tilespmem:$0xD300] =	vst v63  }
0x79: {  	_ =	swait.ge [sflag:s22], $0x7D0  }
0x7a: {  	[sflag:s22] =	ssyncset.done $0x0  }
0x7b: {  	[sflag:s22] =	ssyncadd.s32 $0xFFFFF830  }
0x7c: {  	[spmem:s6] =	stream.indirect.scatter.add.f32 [tilespmem:s24], [sflag:$0x4], $0x1, s21, s17, $0xb8;
	[tilespmem:$0xD300] =	vst v63  }
0x7d: {  	_ =	swait.ge [sflag:s23], $0x7D0  }
0x7e: {  	s16 =	simm.s32 $0x1F4;
	s26 =	smov.u32 s4;
	[sflag:s23] =	ssyncset.done $0x0  }
.LBB2_2:
0x7f: {  	[sflag:s23] =	ssyncadd.s32 $0xFFFFF830  }
0x80: {  	[spmem:s7] =	stream.indirect.scatter.add.f32 [tilespmem:s25], [sflag:$0x4], $0x1, s21, s17, $0xb8;
	[tilespmem:$0xD300] =	vst v63  }
0x81: {  	_ =	swait.ge [sflag:s15], $0x7D0  }
0x82: {  	[sflag:s15] =	ssyncset.done $0x0  }
0x83: {  	[sflag:s15] =	ssyncadd.s32 $0xFFFFF830  }
0x84: {  	_ =	swait.ge [sflag:s15], $0x7D0  }
0x85: {  	s2 =	smov.u32 s16;
	[sflag:s15] =	ssyncset.done $0x0  }
0x86: {  	p1 =	seq.s32 s2, $0x0;
	[sflag:s15] =	ssyncadd.s32 $0xFFFFF830  }
0x87: {  	[tilespmem:s18], [sflag:$0x2] =	stream.indirect.gather [spmem:s0], $0x1, s13, s17, $0xb8;
	[tilespmem:$0xD300] =	vst v63  }
0x88: {  	s4 =	simm.s32 @!p1 $0x4  }
0x89: {  	[tilespmem:s19], [sflag:$0x3] =	stream.indirect.gather [spmem:s1], $0x1, s13, s17, $0xb8;
	[tilespmem:$0xD300] =	vst v63  }
0x8a: {  	_ =	swait.ge @!p1 [sflag:s4], $0x7D0  }
0x8b: {  	[sflag:s4] =	ssyncset.done @!p1 $0x0  }
0x8c: {  	[sflag:s4] =	ssyncadd.s32 @!p1 $0xFFFFF830  }
0x8d: {  	_ =	swait.ge @!p1 [sflag:s4], $0x7D0  }
0x8e: {  	[sflag:s4] =	ssyncset.done @!p1 $0x0  }
0x8f: {  	s31 =	sadd.s32 s2, s28;
	s12 =	rddreg [dreg:$0x9];
	[sflag:s4] =	ssyncadd.s32 @!p1 $0xFFFFF830  }
0x90: {  	[tilespmem:s20], [sflag:$0x1] =	stream.linear.gather [hbm4b:s31+s8], $0x7D0, $0x38;
	[tilespmem:$0xD300] =	vst v63  }
0x91: {  	s31 =	sadd.s32 s2, s12  }
0x92: {  	[tilespmem:s21], [sflag:$0x1] =	stream.linear.gather [hbm4b:s31+s8], $0x7D0, $0x38;
	[tilespmem:$0xD300] =	vst v63  }
0x93: {  	_ =	swait.ge [sflag:s22], $0x7D0  }
0x94: {  	[sflag:s22] =	ssyncset.done $0x0  }
0x95: {  	[sflag:s22] =	ssyncadd.s32 $0xFFFFF830  }
0x96: {  	[spmem:s6] =	stream.indirect.scatter.add.f32 [tilespmem:s18], [sflag:$0x4], $0x1, s14, s17, $0xb8;
	[tilespmem:$0xD300] =	vst v63  }
0x97: {  	_ =	swait.ge [sflag:s23], $0x7D0  }
0x98: {  	[sflag:s23] =	ssyncset.done $0x0  }
0x99: {  	[sflag:s23] =	ssyncadd.s32 $0xFFFFF830  }
0x9a: {  	[spmem:s7] =	stream.indirect.scatter.add.f32 [tilespmem:s19], [sflag:$0x4], $0x1, s14, s17, $0xb8;
	[tilespmem:$0xD300] =	vst v63  }
0x9b: {  	_ =	swait.ge [sflag:s15], $0x7D0  }
0x9c: {  	[sflag:s15] =	ssyncset.done $0x0  }
0x9d: {  	[sflag:s15] =	ssyncadd.s32 $0xFFFFF830  }
0x9e: {  	_ =	swait.ge [sflag:s15], $0x7D0  }
0x9f: {  	[sflag:s15] =	ssyncset.done $0x0  }
0xa0: {  	[sflag:s15] =	ssyncadd.s32 $0xFFFFF830  }
0xa1: {  	[tilespmem:s24], [sflag:$0x2] =	stream.indirect.gather [spmem:s0], $0x1, s20, s17, $0xb8;
	[tilespmem:$0xD300] =	vst v63  }
0xa2: {  	_ = 	snop  }
0xa3: {  	[tilespmem:s25], [sflag:$0x3] =	stream.indirect.gather [spmem:s1], $0x1, s20, s17, $0xb8;
	[tilespmem:$0xD300] =	vst v63  }
0xa4: {  	_ =	swait.ge [sflag:s30], $0x7D0  }
0xa5: {  	[sflag:s30] =	ssyncset.done $0x0  }
0xa6: {  	p1 =	seq.s32 s2, $0x2EE0;
	[sflag:s30] =	ssyncadd.s32 $0xFFFFF830  }
0xa7: {  	s26 =	sadd.s32 $0xFA0, s26;
	s12 =	simm.s32 @!p1 $0x0;
	_ =	swait.ge [sflag:s30], $0x7D0  }
0xa8: {  	s31 =	simm.s32 @!p1 $0x9300;
	s4 =	rddreg [dreg:$0x8];
	[sflag:s30] =	ssyncset.done $0x0  }
0xa9: {  	[sflag:s30] =	ssyncadd.s32 $0xFFFFF830;
	s2 =	sadd.s32 @!p1 s2, s4;
	s4 =	sshrl.u32 @!p1 s26, $0x3  }
0xaa: {  	[tilespmem:s31], [sflag:$0x1] =	stream.linear.gather @!p1 [hbm4b:s2+s12], $0x7D0, $0x38;
	[tilespmem:$0xD300] =	vst v63  }
0xab: {  	s16 =	sadd.s32 $0x1F4, s16;
	s11 =	simm.s32 @!p1 $0x9B00;
	s2 =	sadd.s32 @!p1 s9, s4  }
0xac: {  	[tilespmem:s11], [sflag:$0x1] =	stream.linear.gather @!p1 [hbm4b:s2+s12], $0x7D0, $0x38;
	[tilespmem:$0xD300] =	vst v63  }
0xad: {  	p0 =	sne.s32 s16, $0x30D4;
	_ =	swait.ge [sflag:s22], $0x7D0  }
.Ltmp0:
0xae: {  	[sflag:s22] =	ssyncset.done $0x0;
	(pc) =	sbr.rel @p0 .LBB2_2-.Ltmp0, $4  }
0xaf: {  	[sflag:s22] =	ssyncadd.s32 $0xFFFFF830  }
0xb0: {  	[spmem:s6] =	stream.indirect.scatter.add.f32 [tilespmem:s24], [sflag:$0x4], $0x1, s21, s17, $0xb8;
	[tilespmem:$0xD300] =	vst v63  }
0xb1: {  	_ =	swait.ge [sflag:s23], $0x7D0  }
0xb2: {  	[sflag:s23] =	ssyncset.done $0x0  }
0xb3: {  	[sflag:s23] =	ssyncadd.s32 $0xFFFFF830  }
0xb4: {  	[spmem:s7] =	stream.indirect.scatter.add.f32 [tilespmem:s25], [sflag:$0x4], $0x1, s21, s17, $0xb8;
	[tilespmem:$0xD300] =	vst v63  }
0xb5: {  	_ =	swait.ge [sflag:s30], $0x7D0  }
0xb6: {  	[sflag:s30] =	ssyncset.done $0x0  }
0xb7: {  	[sflag:s30] =	ssyncadd.s32 $0xFFFFF830  }
0xb8: {  	_ =	swait.ge [sflag:s30], $0x7D0  }
0xb9: {  	[sflag:s30] =	ssyncset.done $0x0  }
0xba: {  	s2 =	simm.s32 $0x0;
	s4 =	rddreg [dreg:$0x15];
	[sflag:s30] =	ssyncadd.s32 $0xFFFFF830  }
0xbb: {  	[tilespmem:s13], [sflag:$0x1] =	stream.linear.gather [hbm4b:s4+s2], $0x7D0, $0x38;
	[tilespmem:$0xD300] =	vst v63  }
0xbc: {  	s16 =	rddreg [dreg:$0x18]  }
0xbd: {  	[tilespmem:s14], [sflag:$0x1] =	stream.linear.gather [hbm4b:s16+s2], $0x7D0, $0x38;
	[tilespmem:$0xD300] =	vst v63  }
0xbe: {  	_ =	swait.ge [sflag:s15], $0x7D0  }
0xbf: {  	[sflag:s15] =	ssyncset.done $0x0  }
0xc0: {  	[sflag:s15] =	ssyncadd.s32 $0xFFFFF830  }
0xc1: {  	_ =	swait.ge [sflag:s15], $0x7D0  }
0xc2: {  	[sflag:s15] =	ssyncset.done $0x0  }
0xc3: {  	p0 =	por $0x1, $0x1;
	[sflag:s15] =	ssyncadd.s32 $0xFFFFF830  }
0xc4: {  	[tilespmem:s18], [sflag:$0x2] =	stream.indirect.gather [spmem:s3], $0x1, s13, s17, $0xb8;
	[tilespmem:$0xD300] =	vst v63  }
0xc5: {  	s2 =	simm.s32 @!p0 $0x4  }
0xc6: {  	[tilespmem:s19], [sflag:$0x3] =	stream.indirect.gather [spmem:s5], $0x1, s13, s17, $0xb8;
	[tilespmem:$0xD300] =	vst v63  }
0xc7: {  	_ =	swait.ge @!p0 [sflag:s2], $0x7D0  }
0xc8: {  	[sflag:s2] =	ssyncset.done @!p0 $0x0  }
0xc9: {  	[sflag:s2] =	ssyncadd.s32 @!p0 $0xFFFFF830  }
0xca: {  	_ =	swait.ge @!p0 [sflag:s2], $0x7D0  }
0xcb: {  	[sflag:s2] =	ssyncset.done @!p0 $0x0  }
0xcc: {  	s11 =	sadd.s32 $0x0, s29;
	s26 =	rddreg [dreg:$0xb];
	[sflag:s2] =	ssyncadd.s32 @!p0 $0xFFFFF830  }
0xcd: {  	[tilespmem:s20], [sflag:$0x1] =	stream.linear.gather [hbm4b:s11+s8], $0x7D0, $0x38;
	[tilespmem:$0xD300] =	vst v63  }
0xce: {  	s31 =	sadd.s32 $0x0, s26  }
0xcf: {  	[tilespmem:s21], [sflag:$0x1] =	stream.linear.gather [hbm4b:s31+s8], $0x7D0, $0x38;
	[tilespmem:$0xD300] =	vst v63  }
0xd0: {  	_ =	swait.ge [sflag:s22], $0x7D0  }
0xd1: {  	[sflag:s22] =	ssyncset.done $0x0  }
0xd2: {  	[sflag:s22] =	ssyncadd.s32 $0xFFFFF830  }
0xd3: {  	[spmem:s6] =	stream.indirect.scatter.add.f32 [tilespmem:s18], [sflag:$0x4], $0x1, s14, s17, $0xb8;
	[tilespmem:$0xD300] =	vst v63  }
0xd4: {  	_ =	swait.ge [sflag:s23], $0x7D0  }
0xd5: {  	[sflag:s23] =	ssyncset.done $0x0  }
0xd6: {  	[sflag:s23] =	ssyncadd.s32 $0xFFFFF830  }
0xd7: {  	[spmem:s7] =	stream.indirect.scatter.add.f32 [tilespmem:s19], [sflag:$0x4], $0x1, s14, s17, $0xb8;
	[tilespmem:$0xD300] =	vst v63  }
0xd8: {  	_ =	swait.ge [sflag:s15], $0x7D0  }
0xd9: {  	[sflag:s15] =	ssyncset.done $0x0  }
0xda: {  	[sflag:s15] =	ssyncadd.s32 $0xFFFFF830  }
0xdb: {  	_ =	swait.ge [sflag:s15], $0x7D0  }
0xdc: {  	[sflag:s15] =	ssyncset.done $0x0  }
0xdd: {  	[sflag:s15] =	ssyncadd.s32 $0xFFFFF830  }
0xde: {  	[tilespmem:s24], [sflag:$0x2] =	stream.indirect.gather [spmem:s3], $0x1, s20, s17, $0xb8;
	[tilespmem:$0xD300] =	vst v63  }
0xdf: {  	_ = 	snop  }
0xe0: {  	[tilespmem:s25], [sflag:$0x3] =	stream.indirect.gather [spmem:s5], $0x1, s20, s17, $0xb8;
	[tilespmem:$0xD300] =	vst v63  }
0xe1: {  	_ =	swait.ge [sflag:s30], $0x7D0  }
0xe2: {  	[sflag:s30] =	ssyncset.done $0x0  }
0xe3: {  	p0 =	por $0x0, $0x0;
	[sflag:s30] =	ssyncadd.s32 $0xFFFFF830  }
0xe4: {  	s4 =	simm.s32 @!p0 $0x0;
	_ =	swait.ge [sflag:s30], $0x7D0  }
0xe5: {  	s11 =	simm.s32 @!p0 $0x9300;
	s2 =	rddreg [dreg:$0xa];
	[sflag:s30] =	ssyncset.done $0x0  }
0xe6: {  	s26 =	rddreg [dreg:$0x1b];
	[sflag:s30] =	ssyncadd.s32 $0xFFFFF830;
	s2 =	sadd.s32 @!p0 $0x0, s2  }
0xe7: {  	[tilespmem:s11], [sflag:$0x1] =	stream.linear.gather @!p0 [hbm4b:s2+s4], $0x7D0, $0x38;
	[tilespmem:$0xD300] =	vst v63  }
0xe8: {  	s2 =	sshrl.u32 @!p0 s26, $0x3  }
0xe9: {  	s11 =	simm.s32 @!p0 $0x9B00;
	s2 =	sadd.s32 @!p0 s10, s2  }
0xea: {  	[tilespmem:s11], [sflag:$0x1] =	stream.linear.gather @!p0 [hbm4b:s2+s4], $0x7D0, $0x38;
	[tilespmem:$0xD300] =	vst v63  }
0xeb: {  	_ =	swait.ge [sflag:s22], $0x7D0  }
0xec: {  	[sflag:s22] =	ssyncset.done $0x0  }
0xed: {  	[sflag:s22] =	ssyncadd.s32 $0xFFFFF830  }
0xee: {  	[spmem:s6] =	stream.indirect.scatter.add.f32 [tilespmem:s24], [sflag:$0x4], $0x1, s21, s17, $0xb8;
	[tilespmem:$0xD300] =	vst v63  }
0xef: {  	_ =	swait.ge [sflag:s23], $0x7D0  }
0xf0: {  	s16 =	simm.s32 $0x1F4;
	[sflag:s23] =	ssyncset.done $0x0  }
.LBB2_4:
0xf1: {  	[sflag:s23] =	ssyncadd.s32 $0xFFFFF830  }
0xf2: {  	[spmem:s7] =	stream.indirect.scatter.add.f32 [tilespmem:s25], [sflag:$0x4], $0x1, s21, s17, $0xb8;
	[tilespmem:$0xD300] =	vst v63  }
0xf3: {  	_ =	swait.ge [sflag:s15], $0x7D0  }
0xf4: {  	[sflag:s15] =	ssyncset.done $0x0  }
0xf5: {  	[sflag:s15] =	ssyncadd.s32 $0xFFFFF830  }
0xf6: {  	_ =	swait.ge [sflag:s15], $0x7D0  }
0xf7: {  	s2 =	smov.u32 s16;
	[sflag:s15] =	ssyncset.done $0x0  }
0xf8: {  	p1 =	seq.s32 s2, $0x0;
	[sflag:s15] =	ssyncadd.s32 $0xFFFFF830  }
0xf9: {  	[tilespmem:s18], [sflag:$0x2] =	stream.indirect.gather [spmem:s3], $0x1, s13, s17, $0xb8;
	[tilespmem:$0xD300] =	vst v63  }
0xfa: {  	s4 =	simm.s32 @!p1 $0x4  }
0xfb: {  	[tilespmem:s19], [sflag:$0x3] =	stream.indirect.gather [spmem:s5], $0x1, s13, s17, $0xb8;
	[tilespmem:$0xD300] =	vst v63  }
0xfc: {  	_ =	swait.ge @!p1 [sflag:s4], $0x7D0  }
0xfd: {  	[sflag:s4] =	ssyncset.done @!p1 $0x0  }
0xfe: {  	[sflag:s4] =	ssyncadd.s32 @!p1 $0xFFFFF830  }
0xff: {  	_ =	swait.ge @!p1 [sflag:s4], $0x7D0  }
0x100: {  	[sflag:s4] =	ssyncset.done @!p1 $0x0  }
0x101: {  	s11 =	sadd.s32 s2, s29;
	s12 =	rddreg [dreg:$0xb];
	[sflag:s4] =	ssyncadd.s32 @!p1 $0xFFFFF830  }
0x102: {  	[tilespmem:s20], [sflag:$0x1] =	stream.linear.gather [hbm4b:s11+s8], $0x7D0, $0x38;
	[tilespmem:$0xD300] =	vst v63  }
0x103: {  	s31 =	sadd.s32 s2, s12  }
0x104: {  	[tilespmem:s21], [sflag:$0x1] =	stream.linear.gather [hbm4b:s31+s8], $0x7D0, $0x38;
	[tilespmem:$0xD300] =	vst v63  }
0x105: {  	_ =	swait.ge [sflag:s22], $0x7D0  }
0x106: {  	[sflag:s22] =	ssyncset.done $0x0  }
0x107: {  	[sflag:s22] =	ssyncadd.s32 $0xFFFFF830  }
0x108: {  	[spmem:s6] =	stream.indirect.scatter.add.f32 [tilespmem:s18], [sflag:$0x4], $0x1, s14, s17, $0xb8;
	[tilespmem:$0xD300] =	vst v63  }
0x109: {  	_ =	swait.ge [sflag:s23], $0x7D0  }
0x10a: {  	[sflag:s23] =	ssyncset.done $0x0  }
0x10b: {  	[sflag:s23] =	ssyncadd.s32 $0xFFFFF830  }
0x10c: {  	[spmem:s7] =	stream.indirect.scatter.add.f32 [tilespmem:s19], [sflag:$0x4], $0x1, s14, s17, $0xb8;
	[tilespmem:$0xD300] =	vst v63  }
0x10d: {  	_ =	swait.ge [sflag:s15], $0x7D0  }
0x10e: {  	[sflag:s15] =	ssyncset.done $0x0  }
0x10f: {  	[sflag:s15] =	ssyncadd.s32 $0xFFFFF830  }
0x110: {  	_ =	swait.ge [sflag:s15], $0x7D0  }
0x111: {  	[sflag:s15] =	ssyncset.done $0x0  }
0x112: {  	[sflag:s15] =	ssyncadd.s32 $0xFFFFF830  }
0x113: {  	[tilespmem:s24], [sflag:$0x2] =	stream.indirect.gather [spmem:s3], $0x1, s20, s17, $0xb8;
	[tilespmem:$0xD300] =	vst v63  }
0x114: {  	_ = 	snop  }
0x115: {  	[tilespmem:s25], [sflag:$0x3] =	stream.indirect.gather [spmem:s5], $0x1, s20, s17, $0xb8;
	[tilespmem:$0xD300] =	vst v63  }
0x116: {  	_ =	swait.ge [sflag:s30], $0x7D0  }
0x117: {  	[sflag:s30] =	ssyncset.done $0x0  }
0x118: {  	p1 =	seq.s32 s2, $0x2EE0;
	[sflag:s30] =	ssyncadd.s32 $0xFFFFF830  }
0x119: {  	s26 =	sadd.s32 $0xFA0, s26;
	s11 =	simm.s32 @!p1 $0x0;
	_ =	swait.ge [sflag:s30], $0x7D0  }
0x11a: {  	s12 =	simm.s32 @!p1 $0x9300;
	s4 =	rddreg [dreg:$0xa];
	[sflag:s30] =	ssyncset.done $0x0  }
0x11b: {  	[sflag:s30] =	ssyncadd.s32 $0xFFFFF830;
	s2 =	sadd.s32 @!p1 s2, s4;
	s4 =	sshrl.u32 @!p1 s26, $0x3  }
0x11c: {  	[tilespmem:s12], [sflag:$0x1] =	stream.linear.gather @!p1 [hbm4b:s2+s11], $0x7D0, $0x38;
	[tilespmem:$0xD300] =	vst v63  }
0x11d: {  	s16 =	sadd.s32 $0x1F4, s16;
	s31 =	simm.s32 @!p1 $0x9B00;
	s2 =	sadd.s32 @!p1 s10, s4  }
0x11e: {  	[tilespmem:s31], [sflag:$0x1] =	stream.linear.gather @!p1 [hbm4b:s2+s11], $0x7D0, $0x38;
	[tilespmem:$0xD300] =	vst v63  }
0x11f: {  	p0 =	sne.s32 s16, $0x30D4;
	_ =	swait.ge [sflag:s22], $0x7D0  }
.Ltmp1:
0x120: {  	[sflag:s22] =	ssyncset.done $0x0;
	(pc) =	sbr.rel @p0 .LBB2_4-.Ltmp1, $4  }
0x121: {  	[sflag:s22] =	ssyncadd.s32 $0xFFFFF830  }
0x122: {  	[spmem:s6] =	stream.indirect.scatter.add.f32 [tilespmem:s24], [sflag:$0x4], $0x1, s21, s17, $0xb8;
	[tilespmem:$0xD300] =	vst v63  }
0x123: {  	_ =	swait.ge [sflag:s23], $0x7D0  }
0x124: {  	[sflag:s23] =	ssyncset.done $0x0  }
0x125: {  	[sflag:s23] =	ssyncadd.s32 $0xFFFFF830  }
0x126: {  	[spmem:s7] =	stream.indirect.scatter.add.f32 [tilespmem:s25], [sflag:$0x4], $0x1, s21, s17, $0xb8;
	[tilespmem:$0xD300] =	vst v63  }
0x127: {  	_ =	swait.ge [sflag:s30], $0x7D0  }
0x128: {  	[sflag:s30] =	ssyncset.done $0x0  }
0x129: {  	[sflag:s30] =	ssyncadd.s32 $0xFFFFF830  }
0x12a: {  	_ =	swait.ge [sflag:s30], $0x7D0  }
0x12b: {  	[sflag:s30] =	ssyncset.done $0x0  }
0x12c: {  	[sflag:s30] =	ssyncadd.s32 $0xFFFFF830  }
0x12d: {  	[bflag:$0x0] =	sbarrier.arrive $0xFFFF  }
0x12e: {  	s4 =	sld [smem:$0x7FC]  }
0x12f: {  	s12 =	rddreg [dreg:$0xd]  }
0x130: {  	s11 =	simm.s32 $0x5;
	s2 =	rddreg [dreg:$0x17]  }
0x131: {  	[hbm:s2], [sflag:s12] =	dma.local [spmem:s4], $0x310  }
0x132: {  	_ =	swait.ge [sflag:s11], $0x310  }
0x133: {  	s16 =	sld [smem:$0x7FD]  }
0x134: {  	[sflag:s11] =	ssyncset.done $0x0  }
0x135: {  	s4 =	rddreg [dreg:$0x19];
	[sflag:s11] =	ssyncadd.s32 $0xFFFFFCF0  }
0x136: {  	[hbm:s4], [sflag:s12] =	dma.local [spmem:s16], $0x310  }
0x137: {  	_ =	swait.ge [sflag:s11], $0x310  }
0x138: {  	s26 =	sld [smem:$0x7FB];
	_ =	sdelay $0x2  }
0x139: {  	s31 =	rddreg [dreg:$0x1a];
	s4 =	sadd.s32 $0x1, s26  }
0x13a: {  	p0 =	sne.s32 s4, s31  }
.Ltmp2:
0x13b: {  	_ = 	snop;
	(pc) =	sbr.rel @p0 .LBB2_1-.Ltmp2, $3  }
0x13c: {  	_ =	sdelay $0x1  }
0x13d: {  	[sflag:s11] =	ssyncset.done $0x0  }
0x13e: {  	[sflag:s11] =	ssyncadd.s32 $0xFFFFFCF0  }
0x13f: {  	_ =	sfence.sel $0x180000  }
0x140: {  	[bflag:$0x0] =	sbarrier.arrive $0xFFFF  }
0x141: {  	_ =	strace $0x90000047  }
0x142: {  	s0 =	stileid.u32;
	[bflag:$0x2] =	sbarrier.arrive $0xFFFF  }
0x143: {  	p0 =	sne.s32 s0, $0x0;
	s0 =	rddreg [dreg:$0x7]  }
0x144: {  	s0 =	sadd.s32 @!p0 $0x100000, s0  }
0x145: {  	[sflag:s0] =	ssyncadd.tile.s32 @!p0 $0x1;
	_ =	shalt  }
.Lfunc_end2:
_tile_overlayer_lowered:
.L_overlay_start_2:
0x146: {  	(tag) =	ssettag $0x2  }
0x147: {  	s0 =	rddreg [dreg:$0x0];
	s2 =	stileid.u32  }
0x148: {  	s1 =	rddreg [dreg:$0x1];
	p0 =	sne.s32 s2, $0x0  }
0x149: {  	s3 =	rddreg [dreg:$0x2];
	[bflag:$0x3] =	sbarrier.arrive $0xFFFF;
	s2 =	simm.s32 @!p0 $0x1C05  }
0x14a: {  	[timem:s3], [sflag:s2] =	dma.local @!p0 [hbm:s0], s1  }
0x14b: {  	s0 =	simm.s32 @!p0 $0x5  }
0x14c: {  	_ =	swait.ge @!p0 [sflag:s0], s1  }
0x14d: {  	s1 =	ssub.s32 @!p0 $0x0, s1;
	[sflag:s0] =	ssyncset.done @!p0 $0x0  }
0x14e: {  	[sflag:s0] =	ssyncadd.s32 @!p0 s1  }
0x14f: {  	[bflag:$0x3] =	sbarrier.arrive $0xFFFF  }
0x150: {  	_ =	shalt  }

</sc_bundles>
